<compile_context>
chip_gen: v7x
topology: tpu7x:2x2x1
jax: 0.10.2.dev20260603
libtpu: 0.0.44.dev20260713+nightly
codegen_flags: <defaults>
</compile_context>

<pallas_src>
import dataclasses

import jax
import jax.numpy as jnp
from jax import lax
from jax.experimental import pallas as pl
from jax.experimental.pallas import tpu as pltpu
from jax.experimental.pallas import tpu_sc as plsc

B = 4096
D = 128
R = 100
RP = 128
NC = 2
NS = 16
LANES = 16
NW = NC * NS
BPW = B // NW
BC = 2048
GROUPS = BPW // LANES
MARGIN = 1.0
BIG = 1e30


def _tc_dist2_body(v_ref, x_ref, o_ref):
    v = v_ref[...]
    x = x_ref[...]
    n2 = jnp.sum(x * x, axis=1, keepdims=True)
    u = x / jnp.maximum(jnp.sqrt(n2), 1e-12)
    un2 = jnp.sum(u * u, axis=1)
    dims = (((1,), (1,)), ((), ()))
    uh = u.astype(jnp.bfloat16)
    ul = (u - uh.astype(jnp.float32)).astype(jnp.bfloat16)
    vh = v.astype(jnp.bfloat16)
    vl = (v - vh.astype(jnp.float32)).astype(jnp.bfloat16)
    f32 = jnp.float32
    dots = (lax.dot_general(vh, uh, dims, preferred_element_type=f32)
            + lax.dot_general(vh, ul, dims, preferred_element_type=f32)
            + lax.dot_general(vl, uh, dims, preferred_element_type=f32))
    v2 = jnp.sum(v * v, axis=1, keepdims=True)
    d2 = jnp.maximum(v2 + un2[None, :] - 2.0 * dots, 0.0)
    r_ids = lax.broadcasted_iota(jnp.int32, (RP, 1), 0)
    o_ref[...] = jnp.where(r_ids >= R, BIG, d2)


def _nsqrt(x):
    i = lax.bitcast_convert_type(x, jnp.int32)
    y = lax.bitcast_convert_type(
        jnp.int32(0x5F3759DF) - (i >> 1), jnp.float32)
    for _ in range(3):
        y = y * (1.5 - 0.5 * x * y * y)
    return x * y


def _sc_body(d2_hbm, y_hbm, out_hbm, d2_v, y_v, acc_v, dsem, ysem):
    cid = lax.axis_index("c")
    sid = lax.axis_index("s")
    wid = sid * NC + cid
    base = pl.multiple_of(wid * BPW, BPW)
    dc = pltpu.make_async_copy(d2_hbm.at[:, pl.ds(base, BPW)], d2_v, dsem)
    dc.start()
    yc = pltpu.make_async_copy(y_hbm.at[pl.ds(base, BPW)], y_v, ysem)
    yc.start()
    yc.wait()
    dc.wait()

    lane = jnp.arange(LANES, dtype=jnp.int32)
    acc_v[...] = jnp.zeros((LANES,), jnp.float32)

    @pl.loop(0, GROUPS)
    def _group(g):
        off = pl.multiple_of(g * LANES, LANES)
        yv = y_v[pl.ds(off, LANES)]
        ib = lane + off
        yd2 = plsc.load_gather(d2_v, [yv, ib])
        plsc.store_scatter(d2_v, [yv, ib],
                           jnp.full((LANES,), BIG, jnp.float32))
        accs = [jnp.full((LANES,), BIG, jnp.float32) for _ in range(8)]
        for r in range(R):
            val = d2_v[r, pl.ds(off, LANES)]
            accs[r % 8] = jnp.minimum(accs[r % 8], val)
        while len(accs) > 1:
            accs = [jnp.minimum(a, b) for a, b in zip(accs[::2], accs[1::2])]
        m2 = accs[0]
        sy = _nsqrt(yd2)
        sm = _nsqrt(m2)
        t = jnp.minimum(sm, sy + 10000.0)
        acc_v[...] = acc_v[...] + (MARGIN + sy - t) * (1.0 / B)

    pltpu.sync_copy(acc_v, out_hbm.at[wid])


def kernel(wo, rel_weight, in_y):
    x2d = wo.reshape(B, D)
    vpad = jnp.zeros((RP, D), jnp.float32).at[:R].set(rel_weight)
    y = in_y.reshape(B).astype(jnp.int32)

    d2t = pl.pallas_call(
        _tc_dist2_body,
        grid=(B // BC,),
        in_specs=[
            pl.BlockSpec((RP, D), lambda i: (0, 0)),
            pl.BlockSpec((BC, D), lambda i: (i, 0)),
        ],
        out_specs=pl.BlockSpec((RP, BC), lambda i: (0, i)),
        out_shape=jax.ShapeDtypeStruct((RP, B), jnp.float32),
    )(vpad, x2d)

    cp = pltpu.CompilerParams()
    if "needs_layout_passes" in pltpu.CompilerParams.__dataclass_fields__:
        cp = dataclasses.replace(cp, needs_layout_passes=False)
    sc_stage = pl.kernel(
        _sc_body,
        out_type=jax.ShapeDtypeStruct((NW, LANES), jnp.float32),
        mesh=plsc.VectorSubcoreMesh(core_axis_name="c", subcore_axis_name="s"),
        compiler_params=cp,
        scratch_types=[
            pltpu.VMEM((RP, BPW), jnp.float32),
            pltpu.VMEM((BPW,), jnp.int32),
            pltpu.VMEM((LANES,), jnp.float32),
            pltpu.SemaphoreType.DMA,
            pltpu.SemaphoreType.DMA,
        ],
    )
    partials = sc_stage(d2t, y)
    return jnp.sum(partials)

# --- scband reference (transcript-rebuilt; emitter-appended) ---
"""Pipeline reference for scband-distance-loss-1992864825386 (READ-ONLY COPY).

The authoritative reference and input builder live on the scoring server;
editing this copy changes nothing except your own understanding.
"""

import jax, jax.numpy as jnp
import numpy as np

B = 4096
D = 128
R = 100
MARGIN = 1.0


def setup_inputs(seed: int = 0) -> dict:
    key = jax.random.key(seed)
    k1, k2, k3 = jax.random.split(key, 3)
    wo = jax.random.normal(k1, (B, D, 1), dtype=jnp.float32)
    rel_weight = jax.random.normal(k2, (R, D), dtype=jnp.float32)
    in_y = jax.random.randint(k3, (B, 1), 0, R)
    return {"wo": wo, "rel_weight": rel_weight, "in_y": in_y}


def reference(wo, rel_weight, in_y):
    all_y = jnp.arange(R)
    # wo_norm = F.normalize(wo.squeeze())  (L2 normalize along dim=1, eps=1e-12)
    x = jnp.squeeze(wo)  # [B, D]
    nrm = jnp.sqrt(jnp.sum(x * x, axis=1, keepdims=True))
    wo_norm = x / jnp.maximum(nrm, 1e-12)
    # tile: [B, R, D]
    wo_norm_tile = jnp.repeat(wo_norm[:, None, :], R, axis=1)
    # rel_emb = relemb(in_y).squeeze(dim=1) -> [B, D]
    rel_emb = jnp.take(rel_weight, jnp.squeeze(in_y, axis=1), axis=0)
    # all_y_emb = relemb(all_y) -> [R, D]
    all_y_emb = jnp.take(rel_weight, all_y, axis=0)
    # y_dist = ||wo_norm - rel_emb||_2 along dim 1 -> [B]
    y_dist = jnp.sqrt(jnp.sum((wo_norm - rel_emb) ** 2, axis=1))
    # all_dist = ||wo_norm_tile - all_y_emb||_2 along dim 2 -> [B, R]
    all_dist = jnp.sqrt(jnp.sum((wo_norm_tile - all_y_emb[None, :, :]) ** 2, axis=2))
    # one_hot scatter: zeros(B, R).scatter_(1, in_y, 1)
    one_hot_y = jnp.zeros((B, R), dtype=jnp.float32).at[jnp.arange(B)[:, None], in_y].set(1.0)
    masking_y = one_hot_y * 10000.0
    _t_dist = jnp.min(all_dist + masking_y, axis=1)
    loss = jnp.mean(MARGIN + y_dist - _t_dist)
    return loss

if __name__ == "__main__":
    import jax
    _d = setup_inputs()
    print(jax.jit(kernel)(*tuple(_d.values())))

</pallas_src>

<mosaic_0001>
#map = affine_map<(d0, d1) -> (0, 0)>
#map1 = affine_map<(d0, d1) -> (0)>
module attributes {stable_mosaic.version = 14 : i64} {
  func.func @_sc_body(%arg0: i32, %arg1: i32, %arg2: memref<128x4096xf32, #tpu.memory_space<hbm>>, %arg3: memref<4096xi32, #tpu.memory_space<hbm>>, %arg4: memref<32x16xf32, #tpu.memory_space<hbm>>, %arg5: memref<128x128xf32, #tpu.memory_space<vmem>>, %arg6: memref<128xi32, #tpu.memory_space<vmem>>, %arg7: memref<16xf32, #tpu.memory_space<vmem>>, %arg8: memref<!tpu.dma_semaphore, #tpu.memory_space<semaphore_mem>>, %arg9: memref<!tpu.dma_semaphore, #tpu.memory_space<semaphore_mem>>) attributes {dimension_semantics = [#tpu.dimension_semantics<core_parallel>, #tpu.dimension_semantics<subcore_parallel>], iteration_bounds = array<i64: 2, 16>, scalar_prefetch = 0 : i64, scratch_operands = 5 : i64, tpu.core_type = #tpu.core_type<sc_vector_subcore>, window_params = [{transform_indices = #map}, {transform_indices = #map1}, {transform_indices = #map}]} {
    %mul3A = arith.constant 2 : i32
    %mul3A_0 = arith.muli %arg1, %mul3A : i32
    %add3A = arith.addi %mul3A_0, %arg0 : i32
    %mul3A_1 = arith.constant 128 : i32
    %mul3A_2 = arith.muli %add3A, %mul3A_1 : i32
    %multiple_of3A = tpu.assume_multiple %mul3A_2, 128 : i32
    %dma_start3A = arith.constant 0 : i32
    %dma_start3A_3 = tpu.memref_slice %arg2[%dma_start3A, %multiple_of3A] : memref<128x4096xf32, #tpu.memory_space<hbm>> -> memref<128x128xf32, #tpu.memory_space<hbm>>
    %dma_start3A_4 = arith.constant 0 : i32
    %dma_start3A_5 = tpu.memref_slice %arg2[%dma_start3A_4, %multiple_of3A] : memref<128x4096xf32, #tpu.memory_space<hbm>> -> memref<128x128xf32, #tpu.memory_space<hbm>>
    tpu.enqueue_dma source(%dma_start3A_5 : memref<128x128xf32, #tpu.memory_space<hbm>>) target(%arg5 : memref<128x128xf32, #tpu.memory_space<vmem>>) target_semaphore(%arg8 : memref<!tpu.dma_semaphore, #tpu.memory_space<semaphore_mem>>)
    %dma_start3A_6 = tpu.memref_slice %arg3[%multiple_of3A] : memref<4096xi32, #tpu.memory_space<hbm>> -> memref<128xi32, #tpu.memory_space<hbm>>
    %dma_start3A_7 = tpu.memref_slice %arg3[%multiple_of3A] : memref<4096xi32, #tpu.memory_space<hbm>> -> memref<128xi32, #tpu.memory_space<hbm>>
    tpu.enqueue_dma source(%dma_start3A_7 : memref<128xi32, #tpu.memory_space<hbm>>) target(%arg6 : memref<128xi32, #tpu.memory_space<vmem>>) target_semaphore(%arg9 : memref<!tpu.dma_semaphore, #tpu.memory_space<semaphore_mem>>)
    %dma_wait3A = tpu.memref_slice %arg3[%multiple_of3A] : memref<4096xi32, #tpu.memory_space<hbm>> -> memref<128xi32, #tpu.memory_space<hbm>>
    %dma_wait3A_8 = tpu.memref_slice %arg3[%multiple_of3A] : memref<4096xi32, #tpu.memory_space<hbm>> -> memref<128xi32, #tpu.memory_space<hbm>>
    tpu.wait_dma2 semaphore(%arg9 : memref<!tpu.dma_semaphore, #tpu.memory_space<semaphore_mem>>) src(%dma_wait3A_8 : memref<128xi32, #tpu.memory_space<hbm>>) dst(%arg6 : memref<128xi32, #tpu.memory_space<vmem>>)
    %dma_wait3A_9 = arith.constant 0 : i32
    %dma_wait3A_10 = tpu.memref_slice %arg2[%dma_wait3A_9, %multiple_of3A] : memref<128x4096xf32, #tpu.memory_space<hbm>> -> memref<128x128xf32, #tpu.memory_space<hbm>>
    %dma_wait3A_11 = arith.constant 0 : i32
    %dma_wait3A_12 = tpu.memref_slice %arg2[%dma_wait3A_11, %multiple_of3A] : memref<128x4096xf32, #tpu.memory_space<hbm>> -> memref<128x128xf32, #tpu.memory_space<hbm>>
    tpu.wait_dma2 semaphore(%arg8 : memref<!tpu.dma_semaphore, #tpu.memory_space<semaphore_mem>>) src(%dma_wait3A_12 : memref<128x128xf32, #tpu.memory_space<hbm>>) dst(%arg5 : memref<128x128xf32, #tpu.memory_space<vmem>>)
    %iota3A = tpu.iota {dimensions = array<i32: 0>} : vector<16xi32>
    %broadcast_in_dim3A = arith.constant 0.000000e+00 : f32
    %broadcast_in_dim3A_13 = vector.broadcast %broadcast_in_dim3A : f32 to vector<16xf32>
    %swap3A = arith.constant 0 : index
    %swap3A_14 = tpu.vector_load %arg7[%swap3A] {strides = array<i32>} : memref<16xf32, #tpu.memory_space<vmem>>, vector<16xf32>,
    tpu.vector_store %arg7[%swap3A], %broadcast_in_dim3A_13 {strides = array<i32>} : memref<16xf32, #tpu.memory_space<vmem>>, vector<16xf32>,
    %scan3A = arith.constant 0 : i32
    %scan3A_15 = arith.constant 8 : i32
    %scan3A_16 = arith.addi %scan3A, %scan3A_15 : i32
    %scan3A_17 = arith.constant 1 : i32
    scf.for %scan3A_19 = %scan3A to %scan3A_16 step %scan3A_17  : i32 {
      %mul3A_20 = arith.constant 1 : i32
      %mul3A_21 = arith.muli %scan3A_19, %mul3A_20 : i32
      %add3A_22 = arith.constant 0 : i32
      %add3A_23 = arith.addi %add3A_22, %mul3A_21 : i32
      %mul3A_24 = arith.constant 16 : i32
      %mul3A_25 = arith.muli %add3A_23, %mul3A_24 : i32
      %multiple_of3A_26 = tpu.assume_multiple %mul3A_25, 16 : i32
      %get3A = arith.index_cast %multiple_of3A_26 : i32 to index
      %get3A_27 = tpu.vector_load %arg6[%get3A] {strides = array<i32>} : memref<128xi32, #tpu.memory_space<vmem>>, vector<16xi32>,
      %add3A_28 = vector.broadcast %multiple_of3A_26 : i32 to vector<16xi32>
      %add3A_29 = arith.addi %iota3A, %add3A_28 : vector<16xi32>
      %gather3A = tpu.vector_load_idx %arg5[%get3A_27, %add3A_29] : memref<128x128xf32, #tpu.memory_space<vmem>>[vector<16xi32>, vector<16xi32>], vector<16xf32>,
      %broadcast_in_dim3A_30 = arith.constant 1.000000e+30 : f32
      %broadcast_in_dim3A_31 = vector.broadcast %broadcast_in_dim3A_30 : f32 to vector<16xf32>
      tpu.vector_store_idx %arg5[%get3A_27, %add3A_29], %broadcast_in_dim3A_31 : memref<128x128xf32, #tpu.memory_space<vmem>>[vector<16xi32>, vector<16xi32>], vector<16xf32>,
      %broadcast_in_dim3A_32 = arith.constant 1.000000e+30 : f32
      %broadcast_in_dim3A_33 = vector.broadcast %broadcast_in_dim3A_32 : f32 to vector<16xf32>
      %broadcast_in_dim3A_34 = arith.constant 1.000000e+30 : f32
      %broadcast_in_dim3A_35 = vector.broadcast %broadcast_in_dim3A_34 : f32 to vector<16xf32>
      %broadcast_in_dim3A_36 = arith.constant 1.000000e+30 : f32
      %broadcast_in_dim3A_37 = vector.broadcast %broadcast_in_dim3A_36 : f32 to vector<16xf32>
      %broadcast_in_dim3A_38 = arith.constant 1.000000e+30 : f32
      %broadcast_in_dim3A_39 = vector.broadcast %broadcast_in_dim3A_38 : f32 to vector<16xf32>
      %broadcast_in_dim3A_40 = arith.constant 1.000000e+30 : f32
      %broadcast_in_dim3A_41 = vector.broadcast %broadcast_in_dim3A_40 : f32 to vector<16xf32>
      %broadcast_in_dim3A_42 = arith.constant 1.000000e+30 : f32
      %broadcast_in_dim3A_43 = vector.broadcast %broadcast_in_dim3A_42 : f32 to vector<16xf32>
      %broadcast_in_dim3A_44 = arith.constant 1.000000e+30 : f32
      %broadcast_in_dim3A_45 = vector.broadcast %broadcast_in_dim3A_44 : f32 to vector<16xf32>
      %broadcast_in_dim3A_46 = arith.constant 1.000000e+30 : f32
      %broadcast_in_dim3A_47 = vector.broadcast %broadcast_in_dim3A_46 : f32 to vector<16xf32>
      %get3A_48 = arith.constant 0 : i32
      %get3A_49 = arith.index_cast %get3A_48 : i32 to index
      %get3A_50 = arith.index_cast %multiple_of3A_26 : i32 to index
      %get3A_51 = tpu.vector_load %arg5[%get3A_49, %get3A_50] {strides = array<i32>} : memref<128x128xf32, #tpu.memory_space<vmem>>, vector<16xf32>,
      %min3A = arith.minimumf %broadcast_in_dim3A_33, %get3A_51 : vector<16xf32>
      %get3A_52 = arith.constant 1 : i32
      %get3A_53 = arith.index_cast %get3A_52 : i32 to index
      %get3A_54 = arith.index_cast %multiple_of3A_26 : i32 to index
      %get3A_55 = tpu.vector_load %arg5[%get3A_53, %get3A_54] {strides = array<i32>} : memref<128x128xf32, #tpu.memory_space<vmem>>, vector<16xf32>,
      %min3A_56 = arith.minimumf %broadcast_in_dim3A_35, %get3A_55 : vector<16xf32>
      %get3A_57 = arith.constant 2 : i32
      %get3A_58 = arith.index_cast %get3A_57 : i32 to index
      %get3A_59 = arith.index_cast %multiple_of3A_26 : i32 to index
      %get3A_60 = tpu.vector_load %arg5[%get3A_58, %get3A_59] {strides = array<i32>} : memref<128x128xf32, #tpu.memory_space<vmem>>, vector<16xf32>,
      %min3A_61 = arith.minimumf %broadcast_in_dim3A_37, %get3A_60 : vector<16xf32>
      %get3A_62 = arith.constant 3 : i32
      %get3A_63 = arith.index_cast %get3A_62 : i32 to index
      %get3A_64 = arith.index_cast %multiple_of3A_26 : i32 to index
      %get3A_65 = tpu.vector_load %arg5[%get3A_63, %get3A_64] {strides = array<i32>} : memref<128x128xf32, #tpu.memory_space<vmem>>, vector<16xf32>,
      %min3A_66 = arith.minimumf %broadcast_in_dim3A_39, %get3A_65 : vector<16xf32>
      %get3A_67 = arith.constant 4 : i32
      %get3A_68 = arith.index_cast %get3A_67 : i32 to index
      %get3A_69 = arith.index_cast %multiple_of3A_26 : i32 to index
      %get3A_70 = tpu.vector_load %arg5[%get3A_68, %get3A_69] {strides = array<i32>} : memref<128x128xf32, #tpu.memory_space<vmem>>, vector<16xf32>,
      %min3A_71 = arith.minimumf %broadcast_in_dim3A_41, %get3A_70 : vector<16xf32>
      %get3A_72 = arith.constant 5 : i32
      %get3A_73 = arith.index_cast %get3A_72 : i32 to index
      %get3A_74 = arith.index_cast %multiple_of3A_26 : i32 to index
      %get3A_75 = tpu.vector_load %arg5[%get3A_73, %get3A_74] {strides = array<i32>} : memref<128x128xf32, #tpu.memory_space<vmem>>, vector<16xf32>,
      %min3A_76 = arith.minimumf %broadcast_in_dim3A_43, %get3A_75 : vector<16xf32>
      %get3A_77 = arith.constant 6 : i32
      %get3A_78 = arith.index_cast %get3A_77 : i32 to index
      %get3A_79 = arith.index_cast %multiple_of3A_26 : i32 to index
      %get3A_80 = tpu.vector_load %arg5[%get3A_78, %get3A_79] {strides = array<i32>} : memref<128x128xf32, #tpu.memory_space<vmem>>, vector<16xf32>,
      %min3A_81 = arith.minimumf %broadcast_in_dim3A_45, %get3A_80 : vector<16xf32>
      %get3A_82 = arith.constant 7 : i32
      %get3A_83 = arith.index_cast %get3A_82 : i32 to index
      %get3A_84 = arith.index_cast %multiple_of3A_26 : i32 to index
      %get3A_85 = tpu.vector_load %arg5[%get3A_83, %get3A_84] {strides = array<i32>} : memref<128x128xf32, #tpu.memory_space<vmem>>, vector<16xf32>,
      %min3A_86 = arith.minimumf %broadcast_in_dim3A_47, %get3A_85 : vector<16xf32>
      %get3A_87 = arith.constant 8 : i32
      %get3A_88 = arith.index_cast %get3A_87 : i32 to index
      %get3A_89 = arith.index_cast %multiple_of3A_26 : i32 to index
      %get3A_90 = tpu.vector_load %arg5[%get3A_88, %get3A_89] {strides = array<i32>} : memref<128x128xf32, #tpu.memory_space<vmem>>, vector<16xf32>,
      %min3A_91 = arith.minimumf %min3A, %get3A_90 : vector<16xf32>
      %get3A_92 = arith.constant 9 : i32
      %get3A_93 = arith.index_cast %get3A_92 : i32 to index
      %get3A_94 = arith.index_cast %multiple_of3A_26 : i32 to index
      %get3A_95 = tpu.vector_load %arg5[%get3A_93, %get3A_94] {strides = array<i32>} : memref<128x128xf32, #tpu.memory_space<vmem>>, vector<16xf32>,
      %min3A_96 = arith.minimumf %min3A_56, %get3A_95 : vector<16xf32>
      %get3A_97 = arith.constant 10 : i32
      %get3A_98 = arith.index_cast %get3A_97 : i32 to index
      %get3A_99 = arith.index_cast %multiple_of3A_26 : i32 to index
      %get3A_100 = tpu.vector_load %arg5[%get3A_98, %get3A_99] {strides = array<i32>} : memref<128x128xf32, #tpu.memory_space<vmem>>, vector<16xf32>,
      %min3A_101 = arith.minimumf %min3A_61, %get3A_100 : vector<16xf32>
      %get3A_102 = arith.constant 11 : i32
      %get3A_103 = arith.index_cast %get3A_102 : i32 to index
      %get3A_104 = arith.index_cast %multiple_of3A_26 : i32 to index
      %get3A_105 = tpu.vector_load %arg5[%get3A_103, %get3A_104] {strides = array<i32>} : memref<128x128xf32, #tpu.memory_space<vmem>>, vector<16xf32>,
      %min3A_106 = arith.minimumf %min3A_66, %get3A_105 : vector<16xf32>
      %get3A_107 = arith.constant 12 : i32
      %get3A_108 = arith.index_cast %get3A_107 : i32 to index
      %get3A_109 = arith.index_cast %multiple_of3A_26 : i32 to index
      %get3A_110 = tpu.vector_load %arg5[%get3A_108, %get3A_109] {strides = array<i32>} : memref<128x128xf32, #tpu.memory_space<vmem>>, vector<16xf32>,
      %min3A_111 = arith.minimumf %min3A_71, %get3A_110 : vector<16xf32>
      %get3A_112 = arith.constant 13 : i32
      %get3A_113 = arith.index_cast %get3A_112 : i32 to index
      %get3A_114 = arith.index_cast %multiple_of3A_26 : i32 to index
      %get3A_115 = tpu.vector_load %arg5[%get3A_113, %get3A_114] {strides = array<i32>} : memref<128x128xf32, #tpu.memory_space<vmem>>, vector<16xf32>,
      %min3A_116 = arith.minimumf %min3A_76, %get3A_115 : vector<16xf32>
      %get3A_117 = arith.constant 14 : i32
      %get3A_118 = arith.index_cast %get3A_117 : i32 to index
      %get3A_119 = arith.index_cast %multiple_of3A_26 : i32 to index
      %get3A_120 = tpu.vector_load %arg5[%get3A_118, %get3A_119] {strides = array<i32>} : memref<128x128xf32, #tpu.memory_space<vmem>>, vector<16xf32>,
      %min3A_121 = arith.minimumf %min3A_81, %get3A_120 : vector<16xf32>
      %get3A_122 = arith.constant 15 : i32
      %get3A_123 = arith.index_cast %get3A_122 : i32 to index
      %get3A_124 = arith.index_cast %multiple_of3A_26 : i32 to index
      %get3A_125 = tpu.vector_load %arg5[%get3A_123, %get3A_124] {strides = array<i32>} : memref<128x128xf32, #tpu.memory_space<vmem>>, vector<16xf32>,
      %min3A_126 = arith.minimumf %min3A_86, %get3A_125 : vector<16xf32>
      %get3A_127 = arith.constant 16 : i32
      %get3A_128 = arith.index_cast %get3A_127 : i32 to index
      %get3A_129 = arith.index_cast %multiple_of3A_26 : i32 to index
      %get3A_130 = tpu.vector_load %arg5[%get3A_128, %get3A_129] {strides = array<i32>} : memref<128x128xf32, #tpu.memory_space<vmem>>, vector<16xf32>,
      %min3A_131 = arith.minimumf %min3A_91, %get3A_130 : vector<16xf32>
      %get3A_132 = arith.constant 17 : i32
      %get3A_133 = arith.index_cast %get3A_132 : i32 to index
      %get3A_134 = arith.index_cast %multiple_of3A_26 : i32 to index
      %get3A_135 = tpu.vector_load %arg5[%get3A_133, %get3A_134] {strides = array<i32>} : memref<128x128xf32, #tpu.memory_space<vmem>>, vector<16xf32>,
      %min3A_136 = arith.minimumf %min3A_96, %get3A_135 : vector<16xf32>
      %get3A_137 = arith.constant 18 : i32
      %get3A_138 = arith.index_cast %get3A_137 : i32 to index
      %get3A_139 = arith.index_cast %multiple_of3A_26 : i32 to index
      %get3A_140 = tpu.vector_load %arg5[%get3A_138, %get3A_139] {strides = array<i32>} : memref<128x128xf32, #tpu.memory_space<vmem>>, vector<16xf32>,
      %min3A_141 = arith.minimumf %min3A_101, %get3A_140 : vector<16xf32>
      %get3A_142 = arith.constant 19 : i32
      %get3A_143 = arith.index_cast %get3A_142 : i32 to index
      %get3A_144 = arith.index_cast %multiple_of3A_26 : i32 to index
      %get3A_145 = tpu.vector_load %arg5[%get3A_143, %get3A_144] {strides = array<i32>} : memref<128x128xf32, #tpu.memory_space<vmem>>, vector<16xf32>,
      %min3A_146 = arith.minimumf %min3A_106, %get3A_145 : vector<16xf32>
      %get3A_147 = arith.constant 20 : i32
      %get3A_148 = arith.index_cast %get3A_147 : i32 to index
      %get3A_149 = arith.index_cast %multiple_of3A_26 : i32 to index
      %get3A_150 = tpu.vector_load %arg5[%get3A_148, %get3A_149] {strides = array<i32>} : memref<128x128xf32, #tpu.memory_space<vmem>>, vector<16xf32>,
      %min3A_151 = arith.minimumf %min3A_111, %get3A_150 : vector<16xf32>
      %get3A_152 = arith.constant 21 : i32
      %get3A_153 = arith.index_cast %get3A_152 : i32 to index
      %get3A_154 = arith.index_cast %multiple_of3A_26 : i32 to index
      %get3A_155 = tpu.vector_load %arg5[%get3A_153, %get3A_154] {strides = array<i32>} : memref<128x128xf32, #tpu.memory_space<vmem>>, vector<16xf32>,
      %min3A_156 = arith.minimumf %min3A_116, %get3A_155 : vector<16xf32>
      %get3A_157 = arith.constant 22 : i32
      %get3A_158 = arith.index_cast %get3A_157 : i32 to index
      %get3A_159 = arith.index_cast %multiple_of3A_26 : i32 to index
      %get3A_160 = tpu.vector_load %arg5[%get3A_158, %get3A_159] {strides = array<i32>} : memref<128x128xf32, #tpu.memory_space<vmem>>, vector<16xf32>,
      %min3A_161 = arith.minimumf %min3A_121, %get3A_160 : vector<16xf32>
      %get3A_162 = arith.constant 23 : i32
      %get3A_163 = arith.index_cast %get3A_162 : i32 to index
      %get3A_164 = arith.index_cast %multiple_of3A_26 : i32 to index
      %get3A_165 = tpu.vector_load %arg5[%get3A_163, %get3A_164] {strides = array<i32>} : memref<128x128xf32, #tpu.memory_space<vmem>>, vector<16xf32>,
      %min3A_166 = arith.minimumf %min3A_126, %get3A_165 : vector<16xf32>
      %get3A_167 = arith.constant 24 : i32
      %get3A_168 = arith.index_cast %get3A_167 : i32 to index
      %get3A_169 = arith.index_cast %multiple_of3A_26 : i32 to index
      %get3A_170 = tpu.vector_load %arg5[%get3A_168, %get3A_169] {strides = array<i32>} : memref<128x128xf32, #tpu.memory_space<vmem>>, vector<16xf32>,
      %min3A_171 = arith.minimumf %min3A_131, %get3A_170 : vector<16xf32>
      %get3A_172 = arith.constant 25 : i32
      %get3A_173 = arith.index_cast %get3A_172 : i32 to index
      %get3A_174 = arith.index_cast %multiple_of3A_26 : i32 to index
      %get3A_175 = tpu.vector_load %arg5[%get3A_173, %get3A_174] {strides = array<i32>} : memref<128x128xf32, #tpu.memory_space<vmem>>, vector<16xf32>,
      %min3A_176 = arith.minimumf %min3A_136, %get3A_175 : vector<16xf32>
      %get3A_177 = arith.constant 26 : i32
      %get3A_178 = arith.index_cast %get3A_177 : i32 to index
      %get3A_179 = arith.index_cast %multiple_of3A_26 : i32 to index
      %get3A_180 = tpu.vector_load %arg5[%get3A_178, %get3A_179] {strides = array<i32>} : memref<128x128xf32, #tpu.memory_space<vmem>>, vector<16xf32>,
      %min3A_181 = arith.minimumf %min3A_141, %get3A_180 : vector<16xf32>
      %get3A_182 = arith.constant 27 : i32
      %get3A_183 = arith.index_cast %get3A_182 : i32 to index
      %get3A_184 = arith.index_cast %multiple_of3A_26 : i32 to index
      %get3A_185 = tpu.vector_load %arg5[%get3A_183, %get3A_184] {strides = array<i32>} : memref<128x128xf32, #tpu.memory_space<vmem>>, vector<16xf32>,
      %min3A_186 = arith.minimumf %min3A_146, %get3A_185 : vector<16xf32>
      %get3A_187 = arith.constant 28 : i32
      %get3A_188 = arith.index_cast %get3A_187 : i32 to index
      %get3A_189 = arith.index_cast %multiple_of3A_26 : i32 to index
      %get3A_190 = tpu.vector_load %arg5[%get3A_188, %get3A_189] {strides = array<i32>} : memref<128x128xf32, #tpu.memory_space<vmem>>, vector<16xf32>,
      %min3A_191 = arith.minimumf %min3A_151, %get3A_190 : vector<16xf32>
      %get3A_192 = arith.constant 29 : i32
      %get3A_193 = arith.index_cast %get3A_192 : i32 to index
      %get3A_194 = arith.index_cast %multiple_of3A_26 : i32 to index
      %get3A_195 = tpu.vector_load %arg5[%get3A_193, %get3A_194] {strides = array<i32>} : memref<128x128xf32, #tpu.memory_space<vmem>>, vector<16xf32>,
      %min3A_196 = arith.minimumf %min3A_156, %get3A_195 : vector<16xf32>
      %get3A_197 = arith.constant 30 : i32
      %get3A_198 = arith.index_cast %get3A_197 : i32 to index
      %get3A_199 = arith.index_cast %multiple_of3A_26 : i32 to index
      %get3A_200 = tpu.vector_load %arg5[%get3A_198, %get3A_199] {strides = array<i32>} : memref<128x128xf32, #tpu.memory_space<vmem>>, vector<16xf32>,
      %min3A_201 = arith.minimumf %min3A_161, %get3A_200 : vector<16xf32>
      %get3A_202 = arith.constant 31 : i32
      %get3A_203 = arith.index_cast %get3A_202 : i32 to index
      %get3A_204 = arith.index_cast %multiple_of3A_26 : i32 to index
      %get3A_205 = tpu.vector_load %arg5[%get3A_203, %get3A_204] {strides = array<i32>} : memref<128x128xf32, #tpu.memory_space<vmem>>, vector<16xf32>,
      %min3A_206 = arith.minimumf %min3A_166, %get3A_205 : vector<16xf32>
      %get3A_207 = arith.constant 32 : i32
      %get3A_208 = arith.index_cast %get3A_207 : i32 to index
      %get3A_209 = arith.index_cast %multiple_of3A_26 : i32 to index
      %get3A_210 = tpu.vector_load %arg5[%get3A_208, %get3A_209] {strides = array<i32>} : memref<128x128xf32, #tpu.memory_space<vmem>>, vector<16xf32>,
      %min3A_211 = arith.minimumf %min3A_171, %get3A_210 : vector<16xf32>
      %get3A_212 = arith.constant 33 : i32
      %get3A_213 = arith.index_cast %get3A_212 : i32 to index
      %get3A_214 = arith.index_cast %multiple_of3A_26 : i32 to index
      %get3A_215 = tpu.vector_load %arg5[%get3A_213, %get3A_214] {strides = array<i32>} : memref<128x128xf32, #tpu.memory_space<vmem>>, vector<16xf32>,
      %min3A_216 = arith.minimumf %min3A_176, %get3A_215 : vector<16xf32>
      %get3A_217 = arith.constant 34 : i32
      %get3A_218 = arith.index_cast %get3A_217 : i32 to index
      %get3A_219 = arith.index_cast %multiple_of3A_26 : i32 to index
      %get3A_220 = tpu.vector_load %arg5[%get3A_218, %get3A_219] {strides = array<i32>} : memref<128x128xf32, #tpu.memory_space<vmem>>, vector<16xf32>,
      %min3A_221 = arith.minimumf %min3A_181, %get3A_220 : vector<16xf32>
      %get3A_222 = arith.constant 35 : i32
      %get3A_223 = arith.index_cast %get3A_222 : i32 to index
      %get3A_224 = arith.index_cast %multiple_of3A_26 : i32 to index
      %get3A_225 = tpu.vector_load %arg5[%get3A_223, %get3A_224] {strides = array<i32>} : memref<128x128xf32, #tpu.memory_space<vmem>>, vector<16xf32>,
      %min3A_226 = arith.minimumf %min3A_186, %get3A_225 : vector<16xf32>
      %get3A_227 = arith.constant 36 : i32
      %get3A_228 = arith.index_cast %get3A_227 : i32 to index
      %get3A_229 = arith.index_cast %multiple_of3A_26 : i32 to index
      %get3A_230 = tpu.vector_load %arg5[%get3A_228, %get3A_229] {strides = array<i32>} : memref<128x128xf32, #tpu.memory_space<vmem>>, vector<16xf32>,
      %min3A_231 = arith.minimumf %min3A_191, %get3A_230 : vector<16xf32>
      %get3A_232 = arith.constant 37 : i32
      %get3A_233 = arith.index_cast %get3A_232 : i32 to index
      %get3A_234 = arith.index_cast %multiple_of3A_26 : i32 to index
      %get3A_235 = tpu.vector_load %arg5[%get3A_233, %get3A_234] {strides = array<i32>} : memref<128x128xf32, #tpu.memory_space<vmem>>, vector<16xf32>,
      %min3A_236 = arith.minimumf %min3A_196, %get3A_235 : vector<16xf32>
      %get3A_237 = arith.constant 38 : i32
      %get3A_238 = arith.index_cast %get3A_237 : i32 to index
      %get3A_239 = arith.index_cast %multiple_of3A_26 : i32 to index
      %get3A_240 = tpu.vector_load %arg5[%get3A_238, %get3A_239] {strides = array<i32>} : memref<128x128xf32, #tpu.memory_space<vmem>>, vector<16xf32>,
      %min3A_241 = arith.minimumf %min3A_201, %get3A_240 : vector<16xf32>
      %get3A_242 = arith.constant 39 : i32
      %get3A_243 = arith.index_cast %get3A_242 : i32 to index
      %get3A_244 = arith.index_cast %multiple_of3A_26 : i32 to index
      %get3A_245 = tpu.vector_load %arg5[%get3A_243, %get3A_244] {strides = array<i32>} : memref<128x128xf32, #tpu.memory_space<vmem>>, vector<16xf32>,
      %min3A_246 = arith.minimumf %min3A_206, %get3A_245 : vector<16xf32>
      %get3A_247 = arith.constant 40 : i32
      %get3A_248 = arith.index_cast %get3A_247 : i32 to index
      %get3A_249 = arith.index_cast %multiple_of3A_26 : i32 to index
      %get3A_250 = tpu.vector_load %arg5[%get3A_248, %get3A_249] {strides = array<i32>} : memref<128x128xf32, #tpu.memory_space<vmem>>, vector<16xf32>,
      %min3A_251 = arith.minimumf %min3A_211, %get3A_250 : vector<16xf32>
      %get3A_252 = arith.constant 41 : i32
      %get3A_253 = arith.index_cast %get3A_252 : i32 to index
      %get3A_254 = arith.index_cast %multiple_of3A_26 : i32 to index
      %get3A_255 = tpu.vector_load %arg5[%get3A_253, %get3A_254] {strides = array<i32>} : memref<128x128xf32, #tpu.memory_space<vmem>>, vector<16xf32>,
      %min3A_256 = arith.minimumf %min3A_216, %get3A_255 : vector<16xf32>
      %get3A_257 = arith.constant 42 : i32
      %get3A_258 = arith.index_cast %get3A_257 : i32 to index
      %get3A_259 = arith.index_cast %multiple_of3A_26 : i32 to index
      %get3A_260 = tpu.vector_load %arg5[%get3A_258, %get3A_259] {strides = array<i32>} : memref<128x128xf32, #tpu.memory_space<vmem>>, vector<16xf32>,
      %min3A_261 = arith.minimumf %min3A_221, %get3A_260 : vector<16xf32>
      %get3A_262 = arith.constant 43 : i32
      %get3A_263 = arith.index_cast %get3A_262 : i32 to index
      %get3A_264 = arith.index_cast %multiple_of3A_26 : i32 to index
      %get3A_265 = tpu.vector_load %arg5[%get3A_263, %get3A_264] {strides = array<i32>} : memref<128x128xf32, #tpu.memory_space<vmem>>, vector<16xf32>,
      %min3A_266 = arith.minimumf %min3A_226, %get3A_265 : vector<16xf32>
      %get3A_267 = arith.constant 44 : i32
      %get3A_268 = arith.index_cast %get3A_267 : i32 to index
      %get3A_269 = arith.index_cast %multiple_of3A_26 : i32 to index
      %get3A_270 = tpu.vector_load %arg5[%get3A_268, %get3A_269] {strides = array<i32>} : memref<128x128xf32, #tpu.memory_space<vmem>>, vector<16xf32>,
      %min3A_271 = arith.minimumf %min3A_231, %get3A_270 : vector<16xf32>
      %get3A_272 = arith.constant 45 : i32
      %get3A_273 = arith.index_cast %get3A_272 : i32 to index
      %get3A_274 = arith.index_cast %multiple_of3A_26 : i32 to index
      %get3A_275 = tpu.vector_load %arg5[%get3A_273, %get3A_274] {strides = array<i32>} : memref<128x128xf32, #tpu.memory_space<vmem>>, vector<16xf32>,
      %min3A_276 = arith.minimumf %min3A_236, %get3A_275 : vector<16xf32>
      %get3A_277 = arith.constant 46 : i32
      %get3A_278 = arith.index_cast %get3A_277 : i32 to index
      %get3A_279 = arith.index_cast %multiple_of3A_26 : i32 to index
      %get3A_280 = tpu.vector_load %arg5[%get3A_278, %get3A_279] {strides = array<i32>} : memref<128x128xf32, #tpu.memory_space<vmem>>, vector<16xf32>,
      %min3A_281 = arith.minimumf %min3A_241, %get3A_280 : vector<16xf32>
      %get3A_282 = arith.constant 47 : i32
      %get3A_283 = arith.index_cast %get3A_282 : i32 to index
      %get3A_284 = arith.index_cast %multiple_of3A_26 : i32 to index
      %get3A_285 = tpu.vector_load %arg5[%get3A_283, %get3A_284] {strides = array<i32>} : memref<128x128xf32, #tpu.memory_space<vmem>>, vector<16xf32>,
      %min3A_286 = arith.minimumf %min3A_246, %get3A_285 : vector<16xf32>
      %get3A_287 = arith.constant 48 : i32
      %get3A_288 = arith.index_cast %get3A_287 : i32 to index
      %get3A_289 = arith.index_cast %multiple_of3A_26 : i32 to index
      %get3A_290 = tpu.vector_load %arg5[%get3A_288, %get3A_289] {strides = array<i32>} : memref<128x128xf32, #tpu.memory_space<vmem>>, vector<16xf32>,
      %min3A_291 = arith.minimumf %min3A_251, %get3A_290 : vector<16xf32>
      %get3A_292 = arith.constant 49 : i32
      %get3A_293 = arith.index_cast %get3A_292 : i32 to index
      %get3A_294 = arith.index_cast %multiple_of3A_26 : i32 to index
      %get3A_295 = tpu.vector_load %arg5[%get3A_293, %get3A_294] {strides = array<i32>} : memref<128x128xf32, #tpu.memory_space<vmem>>, vector<16xf32>,
      %min3A_296 = arith.minimumf %min3A_256, %get3A_295 : vector<16xf32>
      %get3A_297 = arith.constant 50 : i32
      %get3A_298 = arith.index_cast %get3A_297 : i32 to index
      %get3A_299 = arith.index_cast %multiple_of3A_26 : i32 to index
      %get3A_300 = tpu.vector_load %arg5[%get3A_298, %get3A_299] {strides = array<i32>} : memref<128x128xf32, #tpu.memory_space<vmem>>, vector<16xf32>,
      %min3A_301 = arith.minimumf %min3A_261, %get3A_300 : vector<16xf32>
      %get3A_302 = arith.constant 51 : i32
      %get3A_303 = arith.index_cast %get3A_302 : i32 to index
      %get3A_304 = arith.index_cast %multiple_of3A_26 : i32 to index
      %get3A_305 = tpu.vector_load %arg5[%get3A_303, %get3A_304] {strides = array<i32>} : memref<128x128xf32, #tpu.memory_space<vmem>>, vector<16xf32>,
      %min3A_306 = arith.minimumf %min3A_266, %get3A_305 : vector<16xf32>
      %get3A_307 = arith.constant 52 : i32
      %get3A_308 = arith.index_cast %get3A_307 : i32 to index
      %get3A_309 = arith.index_cast %multiple_of3A_26 : i32 to index
      %get3A_310 = tpu.vector_load %arg5[%get3A_308, %get3A_309] {strides = array<i32>} : memref<128x128xf32, #tpu.memory_space<vmem>>, vector<16xf32>,
      %min3A_311 = arith.minimumf %min3A_271, %get3A_310 : vector<16xf32>
      %get3A_312 = arith.constant 53 : i32
      %get3A_313 = arith.index_cast %get3A_312 : i32 to index
      %get3A_314 = arith.index_cast %multiple_of3A_26 : i32 to index
      %get3A_315 = tpu.vector_load %arg5[%get3A_313, %get3A_314] {strides = array<i32>} : memref<128x128xf32, #tpu.memory_space<vmem>>, vector<16xf32>,
      %min3A_316 = arith.minimumf %min3A_276, %get3A_315 : vector<16xf32>
      %get3A_317 = arith.constant 54 : i32
      %get3A_318 = arith.index_cast %get3A_317 : i32 to index
      %get3A_319 = arith.index_cast %multiple_of3A_26 : i32 to index
      %get3A_320 = tpu.vector_load %arg5[%get3A_318, %get3A_319] {strides = array<i32>} : memref<128x128xf32, #tpu.memory_space<vmem>>, vector<16xf32>,
      %min3A_321 = arith.minimumf %min3A_281, %get3A_320 : vector<16xf32>
      %get3A_322 = arith.constant 55 : i32
      %get3A_323 = arith.index_cast %get3A_322 : i32 to index
      %get3A_324 = arith.index_cast %multiple_of3A_26 : i32 to index
      %get3A_325 = tpu.vector_load %arg5[%get3A_323, %get3A_324] {strides = array<i32>} : memref<128x128xf32, #tpu.memory_space<vmem>>, vector<16xf32>,
      %min3A_326 = arith.minimumf %min3A_286, %get3A_325 : vector<16xf32>
      %get3A_327 = arith.constant 56 : i32
      %get3A_328 = arith.index_cast %get3A_327 : i32 to index
      %get3A_329 = arith.index_cast %multiple_of3A_26 : i32 to index
      %get3A_330 = tpu.vector_load %arg5[%get3A_328, %get3A_329] {strides = array<i32>} : memref<128x128xf32, #tpu.memory_space<vmem>>, vector<16xf32>,
      %min3A_331 = arith.minimumf %min3A_291, %get3A_330 : vector<16xf32>
      %get3A_332 = arith.constant 57 : i32
      %get3A_333 = arith.index_cast %get3A_332 : i32 to index
      %get3A_334 = arith.index_cast %multiple_of3A_26 : i32 to index
      %get3A_335 = tpu.vector_load %arg5[%get3A_333, %get3A_334] {strides = array<i32>} : memref<128x128xf32, #tpu.memory_space<vmem>>, vector<16xf32>,
      %min3A_336 = arith.minimumf %min3A_296, %get3A_335 : vector<16xf32>
      %get3A_337 = arith.constant 58 : i32
      %get3A_338 = arith.index_cast %get3A_337 : i32 to index
      %get3A_339 = arith.index_cast %multiple_of3A_26 : i32 to index
      %get3A_340 = tpu.vector_load %arg5[%get3A_338, %get3A_339] {strides = array<i32>} : memref<128x128xf32, #tpu.memory_space<vmem>>, vector<16xf32>,
      %min3A_341 = arith.minimumf %min3A_301, %get3A_340 : vector<16xf32>
      %get3A_342 = arith.constant 59 : i32
      %get3A_343 = arith.index_cast %get3A_342 : i32 to index
      %get3A_344 = arith.index_cast %multiple_of3A_26 : i32 to index
      %get3A_345 = tpu.vector_load %arg5[%get3A_343, %get3A_344] {strides = array<i32>} : memref<128x128xf32, #tpu.memory_space<vmem>>, vector<16xf32>,
      %min3A_346 = arith.minimumf %min3A_306, %get3A_345 : vector<16xf32>
      %get3A_347 = arith.constant 60 : i32
      %get3A_348 = arith.index_cast %get3A_347 : i32 to index
      %get3A_349 = arith.index_cast %multiple_of3A_26 : i32 to index
      %get3A_350 = tpu.vector_load %arg5[%get3A_348, %get3A_349] {strides = array<i32>} : memref<128x128xf32, #tpu.memory_space<vmem>>, vector<16xf32>,
      %min3A_351 = arith.minimumf %min3A_311, %get3A_350 : vector<16xf32>
      %get3A_352 = arith.constant 61 : i32
      %get3A_353 = arith.index_cast %get3A_352 : i32 to index
      %get3A_354 = arith.index_cast %multiple_of3A_26 : i32 to index
      %get3A_355 = tpu.vector_load %arg5[%get3A_353, %get3A_354] {strides = array<i32>} : memref<128x128xf32, #tpu.memory_space<vmem>>, vector<16xf32>,
      %min3A_356 = arith.minimumf %min3A_316, %get3A_355 : vector<16xf32>
      %get3A_357 = arith.constant 62 : i32
      %get3A_358 = arith.index_cast %get3A_357 : i32 to index
      %get3A_359 = arith.index_cast %multiple_of3A_26 : i32 to index
      %get3A_360 = tpu.vector_load %arg5[%get3A_358, %get3A_359] {strides = array<i32>} : memref<128x128xf32, #tpu.memory_space<vmem>>, vector<16xf32>,
      %min3A_361 = arith.minimumf %min3A_321, %get3A_360 : vector<16xf32>
      %get3A_362 = arith.constant 63 : i32
      %get3A_363 = arith.index_cast %get3A_362 : i32 to index
      %get3A_364 = arith.index_cast %multiple_of3A_26 : i32 to index
      %get3A_365 = tpu.vector_load %arg5[%get3A_363, %get3A_364] {strides = array<i32>} : memref<128x128xf32, #tpu.memory_space<vmem>>, vector<16xf32>,
      %min3A_366 = arith.minimumf %min3A_326, %get3A_365 : vector<16xf32>
      %get3A_367 = arith.constant 64 : i32
      %get3A_368 = arith.index_cast %get3A_367 : i32 to index
      %get3A_369 = arith.index_cast %multiple_of3A_26 : i32 to index
      %get3A_370 = tpu.vector_load %arg5[%get3A_368, %get3A_369] {strides = array<i32>} : memref<128x128xf32, #tpu.memory_space<vmem>>, vector<16xf32>,
      %min3A_371 = arith.minimumf %min3A_331, %get3A_370 : vector<16xf32>
      %get3A_372 = arith.constant 65 : i32
      %get3A_373 = arith.index_cast %get3A_372 : i32 to index
      %get3A_374 = arith.index_cast %multiple_of3A_26 : i32 to index
      %get3A_375 = tpu.vector_load %arg5[%get3A_373, %get3A_374] {strides = array<i32>} : memref<128x128xf32, #tpu.memory_space<vmem>>, vector<16xf32>,
      %min3A_376 = arith.minimumf %min3A_336, %get3A_375 : vector<16xf32>
      %get3A_377 = arith.constant 66 : i32
      %get3A_378 = arith.index_cast %get3A_377 : i32 to index
      %get3A_379 = arith.index_cast %multiple_of3A_26 : i32 to index
      %get3A_380 = tpu.vector_load %arg5[%get3A_378, %get3A_379] {strides = array<i32>} : memref<128x128xf32, #tpu.memory_space<vmem>>, vector<16xf32>,
      %min3A_381 = arith.minimumf %min3A_341, %get3A_380 : vector<16xf32>
      %get3A_382 = arith.constant 67 : i32
      %get3A_383 = arith.index_cast %get3A_382 : i32 to index
      %get3A_384 = arith.index_cast %multiple_of3A_26 : i32 to index
      %get3A_385 = tpu.vector_load %arg5[%get3A_383, %get3A_384] {strides = array<i32>} : memref<128x128xf32, #tpu.memory_space<vmem>>, vector<16xf32>,
      %min3A_386 = arith.minimumf %min3A_346, %get3A_385 : vector<16xf32>
      %get3A_387 = arith.constant 68 : i32
      %get3A_388 = arith.index_cast %get3A_387 : i32 to index
      %get3A_389 = arith.index_cast %multiple_of3A_26 : i32 to index
      %get3A_390 = tpu.vector_load %arg5[%get3A_388, %get3A_389] {strides = array<i32>} : memref<128x128xf32, #tpu.memory_space<vmem>>, vector<16xf32>,
      %min3A_391 = arith.minimumf %min3A_351, %get3A_390 : vector<16xf32>
      %get3A_392 = arith.constant 69 : i32
      %get3A_393 = arith.index_cast %get3A_392 : i32 to index
      %get3A_394 = arith.index_cast %multiple_of3A_26 : i32 to index
      %get3A_395 = tpu.vector_load %arg5[%get3A_393, %get3A_394] {strides = array<i32>} : memref<128x128xf32, #tpu.memory_space<vmem>>, vector<16xf32>,
      %min3A_396 = arith.minimumf %min3A_356, %get3A_395 : vector<16xf32>
      %get3A_397 = arith.constant 70 : i32
      %get3A_398 = arith.index_cast %get3A_397 : i32 to index
      %get3A_399 = arith.index_cast %multiple_of3A_26 : i32 to index
      %get3A_400 = tpu.vector_load %arg5[%get3A_398, %get3A_399] {strides = array<i32>} : memref<128x128xf32, #tpu.memory_space<vmem>>, vector<16xf32>,
      %min3A_401 = arith.minimumf %min3A_361, %get3A_400 : vector<16xf32>
      %get3A_402 = arith.constant 71 : i32
      %get3A_403 = arith.index_cast %get3A_402 : i32 to index
      %get3A_404 = arith.index_cast %multiple_of3A_26 : i32 to index
      %get3A_405 = tpu.vector_load %arg5[%get3A_403, %get3A_404] {strides = array<i32>} : memref<128x128xf32, #tpu.memory_space<vmem>>, vector<16xf32>,
      %min3A_406 = arith.minimumf %min3A_366, %get3A_405 : vector<16xf32>
      %get3A_407 = arith.constant 72 : i32
      %get3A_408 = arith.index_cast %get3A_407 : i32 to index
      %get3A_409 = arith.index_cast %multiple_of3A_26 : i32 to index
      %get3A_410 = tpu.vector_load %arg5[%get3A_408, %get3A_409] {strides = array<i32>} : memref<128x128xf32, #tpu.memory_space<vmem>>, vector<16xf32>,
      %min3A_411 = arith.minimumf %min3A_371, %get3A_410 : vector<16xf32>
      %get3A_412 = arith.constant 73 : i32
      %get3A_413 = arith.index_cast %get3A_412 : i32 to index
      %get3A_414 = arith.index_cast %multiple_of3A_26 : i32 to index
      %get3A_415 = tpu.vector_load %arg5[%get3A_413, %get3A_414] {strides = array<i32>} : memref<128x128xf32, #tpu.memory_space<vmem>>, vector<16xf32>,
      %min3A_416 = arith.minimumf %min3A_376, %get3A_415 : vector<16xf32>
      %get3A_417 = arith.constant 74 : i32
      %get3A_418 = arith.index_cast %get3A_417 : i32 to index
      %get3A_419 = arith.index_cast %multiple_of3A_26 : i32 to index
      %get3A_420 = tpu.vector_load %arg5[%get3A_418, %get3A_419] {strides = array<i32>} : memref<128x128xf32, #tpu.memory_space<vmem>>, vector<16xf32>,
      %min3A_421 = arith.minimumf %min3A_381, %get3A_420 : vector<16xf32>
      %get3A_422 = arith.constant 75 : i32
      %get3A_423 = arith.index_cast %get3A_422 : i32 to index
      %get3A_424 = arith.index_cast %multiple_of3A_26 : i32 to index
      %get3A_425 = tpu.vector_load %arg5[%get3A_423, %get3A_424] {strides = array<i32>} : memref<128x128xf32, #tpu.memory_space<vmem>>, vector<16xf32>,
      %min3A_426 = arith.minimumf %min3A_386, %get3A_425 : vector<16xf32>
      %get3A_427 = arith.constant 76 : i32
      %get3A_428 = arith.index_cast %get3A_427 : i32 to index
      %get3A_429 = arith.index_cast %multiple_of3A_26 : i32 to index
      %get3A_430 = tpu.vector_load %arg5[%get3A_428, %get3A_429] {strides = array<i32>} : memref<128x128xf32, #tpu.memory_space<vmem>>, vector<16xf32>,
      %min3A_431 = arith.minimumf %min3A_391, %get3A_430 : vector<16xf32>
      %get3A_432 = arith.constant 77 : i32
      %get3A_433 = arith.index_cast %get3A_432 : i32 to index
      %get3A_434 = arith.index_cast %multiple_of3A_26 : i32 to index
      %get3A_435 = tpu.vector_load %arg5[%get3A_433, %get3A_434] {strides = array<i32>} : memref<128x128xf32, #tpu.memory_space<vmem>>, vector<16xf32>,
      %min3A_436 = arith.minimumf %min3A_396, %get3A_435 : vector<16xf32>
      %get3A_437 = arith.constant 78 : i32
      %get3A_438 = arith.index_cast %get3A_437 : i32 to index
      %get3A_439 = arith.index_cast %multiple_of3A_26 : i32 to index
      %get3A_440 = tpu.vector_load %arg5[%get3A_438, %get3A_439] {strides = array<i32>} : memref<128x128xf32, #tpu.memory_space<vmem>>, vector<16xf32>,
      %min3A_441 = arith.minimumf %min3A_401, %get3A_440 : vector<16xf32>
      %get3A_442 = arith.constant 79 : i32
      %get3A_443 = arith.index_cast %get3A_442 : i32 to index
      %get3A_444 = arith.index_cast %multiple_of3A_26 : i32 to index
      %get3A_445 = tpu.vector_load %arg5[%get3A_443, %get3A_444] {strides = array<i32>} : memref<128x128xf32, #tpu.memory_space<vmem>>, vector<16xf32>,
      %min3A_446 = arith.minimumf %min3A_406, %get3A_445 : vector<16xf32>
      %get3A_447 = arith.constant 80 : i32
      %get3A_448 = arith.index_cast %get3A_447 : i32 to index
      %get3A_449 = arith.index_cast %multiple_of3A_26 : i32 to index
      %get3A_450 = tpu.vector_load %arg5[%get3A_448, %get3A_449] {strides = array<i32>} : memref<128x128xf32, #tpu.memory_space<vmem>>, vector<16xf32>,
      %min3A_451 = arith.minimumf %min3A_411, %get3A_450 : vector<16xf32>
      %get3A_452 = arith.constant 81 : i32
      %get3A_453 = arith.index_cast %get3A_452 : i32 to index
      %get3A_454 = arith.index_cast %multiple_of3A_26 : i32 to index
      %get3A_455 = tpu.vector_load %arg5[%get3A_453, %get3A_454] {strides = array<i32>} : memref<128x128xf32, #tpu.memory_space<vmem>>, vector<16xf32>,
      %min3A_456 = arith.minimumf %min3A_416, %get3A_455 : vector<16xf32>
      %get3A_457 = arith.constant 82 : i32
      %get3A_458 = arith.index_cast %get3A_457 : i32 to index
      %get3A_459 = arith.index_cast %multiple_of3A_26 : i32 to index
      %get3A_460 = tpu.vector_load %arg5[%get3A_458, %get3A_459] {strides = array<i32>} : memref<128x128xf32, #tpu.memory_space<vmem>>, vector<16xf32>,
      %min3A_461 = arith.minimumf %min3A_421, %get3A_460 : vector<16xf32>
      %get3A_462 = arith.constant 83 : i32
      %get3A_463 = arith.index_cast %get3A_462 : i32 to index
      %get3A_464 = arith.index_cast %multiple_of3A_26 : i32 to index
      %get3A_465 = tpu.vector_load %arg5[%get3A_463, %get3A_464] {strides = array<i32>} : memref<128x128xf32, #tpu.memory_space<vmem>>, vector<16xf32>,
      %min3A_466 = arith.minimumf %min3A_426, %get3A_465 : vector<16xf32>
      %get3A_467 = arith.constant 84 : i32
      %get3A_468 = arith.index_cast %get3A_467 : i32 to index
      %get3A_469 = arith.index_cast %multiple_of3A_26 : i32 to index
      %get3A_470 = tpu.vector_load %arg5[%get3A_468, %get3A_469] {strides = array<i32>} : memref<128x128xf32, #tpu.memory_space<vmem>>, vector<16xf32>,
      %min3A_471 = arith.minimumf %min3A_431, %get3A_470 : vector<16xf32>
      %get3A_472 = arith.constant 85 : i32
      %get3A_473 = arith.index_cast %get3A_472 : i32 to index
      %get3A_474 = arith.index_cast %multiple_of3A_26 : i32 to index
      %get3A_475 = tpu.vector_load %arg5[%get3A_473, %get3A_474] {strides = array<i32>} : memref<128x128xf32, #tpu.memory_space<vmem>>, vector<16xf32>,
      %min3A_476 = arith.minimumf %min3A_436, %get3A_475 : vector<16xf32>
      %get3A_477 = arith.constant 86 : i32
      %get3A_478 = arith.index_cast %get3A_477 : i32 to index
      %get3A_479 = arith.index_cast %multiple_of3A_26 : i32 to index
      %get3A_480 = tpu.vector_load %arg5[%get3A_478, %get3A_479] {strides = array<i32>} : memref<128x128xf32, #tpu.memory_space<vmem>>, vector<16xf32>,
      %min3A_481 = arith.minimumf %min3A_441, %get3A_480 : vector<16xf32>
      %get3A_482 = arith.constant 87 : i32
      %get3A_483 = arith.index_cast %get3A_482 : i32 to index
      %get3A_484 = arith.index_cast %multiple_of3A_26 : i32 to index
      %get3A_485 = tpu.vector_load %arg5[%get3A_483, %get3A_484] {strides = array<i32>} : memref<128x128xf32, #tpu.memory_space<vmem>>, vector<16xf32>,
      %min3A_486 = arith.minimumf %min3A_446, %get3A_485 : vector<16xf32>
      %get3A_487 = arith.constant 88 : i32
      %get3A_488 = arith.index_cast %get3A_487 : i32 to index
      %get3A_489 = arith.index_cast %multiple_of3A_26 : i32 to index
      %get3A_490 = tpu.vector_load %arg5[%get3A_488, %get3A_489] {strides = array<i32>} : memref<128x128xf32, #tpu.memory_space<vmem>>, vector<16xf32>,
      %min3A_491 = arith.minimumf %min3A_451, %get3A_490 : vector<16xf32>
      %get3A_492 = arith.constant 89 : i32
      %get3A_493 = arith.index_cast %get3A_492 : i32 to index
      %get3A_494 = arith.index_cast %multiple_of3A_26 : i32 to index
      %get3A_495 = tpu.vector_load %arg5[%get3A_493, %get3A_494] {strides = array<i32>} : memref<128x128xf32, #tpu.memory_space<vmem>>, vector<16xf32>,
      %min3A_496 = arith.minimumf %min3A_456, %get3A_495 : vector<16xf32>
      %get3A_497 = arith.constant 90 : i32
      %get3A_498 = arith.index_cast %get3A_497 : i32 to index
      %get3A_499 = arith.index_cast %multiple_of3A_26 : i32 to index
      %get3A_500 = tpu.vector_load %arg5[%get3A_498, %get3A_499] {strides = array<i32>} : memref<128x128xf32, #tpu.memory_space<vmem>>, vector<16xf32>,
      %min3A_501 = arith.minimumf %min3A_461, %get3A_500 : vector<16xf32>
      %get3A_502 = arith.constant 91 : i32
      %get3A_503 = arith.index_cast %get3A_502 : i32 to index
      %get3A_504 = arith.index_cast %multiple_of3A_26 : i32 to index
      %get3A_505 = tpu.vector_load %arg5[%get3A_503, %get3A_504] {strides = array<i32>} : memref<128x128xf32, #tpu.memory_space<vmem>>, vector<16xf32>,
      %min3A_506 = arith.minimumf %min3A_466, %get3A_505 : vector<16xf32>
      %get3A_507 = arith.constant 92 : i32
      %get3A_508 = arith.index_cast %get3A_507 : i32 to index
      %get3A_509 = arith.index_cast %multiple_of3A_26 : i32 to index
      %get3A_510 = tpu.vector_load %arg5[%get3A_508, %get3A_509] {strides = array<i32>} : memref<128x128xf32, #tpu.memory_space<vmem>>, vector<16xf32>,
      %min3A_511 = arith.minimumf %min3A_471, %get3A_510 : vector<16xf32>
      %get3A_512 = arith.constant 93 : i32
      %get3A_513 = arith.index_cast %get3A_512 : i32 to index
      %get3A_514 = arith.index_cast %multiple_of3A_26 : i32 to index
      %get3A_515 = tpu.vector_load %arg5[%get3A_513, %get3A_514] {strides = array<i32>} : memref<128x128xf32, #tpu.memory_space<vmem>>, vector<16xf32>,
      %min3A_516 = arith.minimumf %min3A_476, %get3A_515 : vector<16xf32>
      %get3A_517 = arith.constant 94 : i32
      %get3A_518 = arith.index_cast %get3A_517 : i32 to index
      %get3A_519 = arith.index_cast %multiple_of3A_26 : i32 to index
      %get3A_520 = tpu.vector_load %arg5[%get3A_518, %get3A_519] {strides = array<i32>} : memref<128x128xf32, #tpu.memory_space<vmem>>, vector<16xf32>,
      %min3A_521 = arith.minimumf %min3A_481, %get3A_520 : vector<16xf32>
      %get3A_522 = arith.constant 95 : i32
      %get3A_523 = arith.index_cast %get3A_522 : i32 to index
      %get3A_524 = arith.index_cast %multiple_of3A_26 : i32 to index
      %get3A_525 = tpu.vector_load %arg5[%get3A_523, %get3A_524] {strides = array<i32>} : memref<128x128xf32, #tpu.memory_space<vmem>>, vector<16xf32>,
      %min3A_526 = arith.minimumf %min3A_486, %get3A_525 : vector<16xf32>
      %get3A_527 = arith.constant 96 : i32
      %get3A_528 = arith.index_cast %get3A_527 : i32 to index
      %get3A_529 = arith.index_cast %multiple_of3A_26 : i32 to index
      %get3A_530 = tpu.vector_load %arg5[%get3A_528, %get3A_529] {strides = array<i32>} : memref<128x128xf32, #tpu.memory_space<vmem>>, vector<16xf32>,
      %min3A_531 = arith.minimumf %min3A_491, %get3A_530 : vector<16xf32>
      %get3A_532 = arith.constant 97 : i32
      %get3A_533 = arith.index_cast %get3A_532 : i32 to index
      %get3A_534 = arith.index_cast %multiple_of3A_26 : i32 to index
      %get3A_535 = tpu.vector_load %arg5[%get3A_533, %get3A_534] {strides = array<i32>} : memref<128x128xf32, #tpu.memory_space<vmem>>, vector<16xf32>,
      %min3A_536 = arith.minimumf %min3A_496, %get3A_535 : vector<16xf32>
      %get3A_537 = arith.constant 98 : i32
      %get3A_538 = arith.index_cast %get3A_537 : i32 to index
      %get3A_539 = arith.index_cast %multiple_of3A_26 : i32 to index
      %get3A_540 = tpu.vector_load %arg5[%get3A_538, %get3A_539] {strides = array<i32>} : memref<128x128xf32, #tpu.memory_space<vmem>>, vector<16xf32>,
      %min3A_541 = arith.minimumf %min3A_501, %get3A_540 : vector<16xf32>
      %get3A_542 = arith.constant 99 : i32
      %get3A_543 = arith.index_cast %get3A_542 : i32 to index
      %get3A_544 = arith.index_cast %multiple_of3A_26 : i32 to index
      %get3A_545 = tpu.vector_load %arg5[%get3A_543, %get3A_544] {strides = array<i32>} : memref<128x128xf32, #tpu.memory_space<vmem>>, vector<16xf32>,
      %min3A_546 = arith.minimumf %min3A_506, %get3A_545 : vector<16xf32>
      %min3A_547 = arith.minimumf %min3A_531, %min3A_536 : vector<16xf32>
      %min3A_548 = arith.minimumf %min3A_541, %min3A_546 : vector<16xf32>
      %min3A_549 = arith.minimumf %min3A_511, %min3A_516 : vector<16xf32>
      %min3A_550 = arith.minimumf %min3A_521, %min3A_526 : vector<16xf32>
      %min3A_551 = arith.minimumf %min3A_547, %min3A_548 : vector<16xf32>
      %min3A_552 = arith.minimumf %min3A_549, %min3A_550 : vector<16xf32>
      %min3A_553 = arith.minimumf %min3A_551, %min3A_552 : vector<16xf32>
      %bitcast_convert_type3A = tpu.bitcast %gather3A : vector<16xf32> -> vector<16xi32>
      %shift_right_arithmetic3A = arith.constant 1 : i32
      %shift_right_arithmetic3A_554 = vector.broadcast %shift_right_arithmetic3A : i32 to vector<16xi32>
      %shift_right_arithmetic3A_555 = arith.shrsi %bitcast_convert_type3A, %shift_right_arithmetic3A_554 : vector<16xi32>
      %sub3A = arith.constant 1597463007 : i32
      %sub3A_556 = vector.broadcast %sub3A : i32 to vector<16xi32>
      %sub3A_557 = arith.subi %sub3A_556, %shift_right_arithmetic3A_555 : vector<16xi32>
      %bitcast_convert_type3A_558 = tpu.bitcast %sub3A_557 : vector<16xi32> -> vector<16xf32>
      %mul3A_559 = arith.constant 5.000000e-01 : f32
      %mul3A_560 = vector.broadcast %mul3A_559 : f32 to vector<16xf32>
      %mul3A_561 = arith.mulf %mul3A_560, %gather3A : vector<16xf32>
      %mul3A_562 = arith.mulf %mul3A_561, %bitcast_convert_type3A_558 : vector<16xf32>
      %mul3A_563 = arith.mulf %mul3A_562, %bitcast_convert_type3A_558 : vector<16xf32>
      %sub3A_564 = arith.constant 1.500000e+00 : f32
      %sub3A_565 = vector.broadcast %sub3A_564 : f32 to vector<16xf32>
      %sub3A_566 = arith.subf %sub3A_565, %mul3A_563 : vector<16xf32>
      %mul3A_567 = arith.mulf %bitcast_convert_type3A_558, %sub3A_566 : vector<16xf32>
      %mul3A_568 = arith.constant 5.000000e-01 : f32
      %mul3A_569 = vector.broadcast %mul3A_568 : f32 to vector<16xf32>
      %mul3A_570 = arith.mulf %mul3A_569, %gather3A : vector<16xf32>
      %mul3A_571 = arith.mulf %mul3A_570, %mul3A_567 : vector<16xf32>
      %mul3A_572 = arith.mulf %mul3A_571, %mul3A_567 : vector<16xf32>
      %sub3A_573 = arith.constant 1.500000e+00 : f32
      %sub3A_574 = vector.broadcast %sub3A_573 : f32 to vector<16xf32>
      %sub3A_575 = arith.subf %sub3A_574, %mul3A_572 : vector<16xf32>
      %mul3A_576 = arith.mulf %mul3A_567, %sub3A_575 : vector<16xf32>
      %mul3A_577 = arith.constant 5.000000e-01 : f32
      %mul3A_578 = vector.broadcast %mul3A_577 : f32 to vector<16xf32>
      %mul3A_579 = arith.mulf %mul3A_578, %gather3A : vector<16xf32>
      %mul3A_580 = arith.mulf %mul3A_579, %mul3A_576 : vector<16xf32>
      %mul3A_581 = arith.mulf %mul3A_580, %mul3A_576 : vector<16xf32>
      %sub3A_582 = arith.constant 1.500000e+00 : f32
      %sub3A_583 = vector.broadcast %sub3A_582 : f32 to vector<16xf32>
      %sub3A_584 = arith.subf %sub3A_583, %mul3A_581 : vector<16xf32>
      %mul3A_585 = arith.mulf %mul3A_576, %sub3A_584 : vector<16xf32>
      %mul3A_586 = arith.mulf %gather3A, %mul3A_585 : vector<16xf32>
      %bitcast_convert_type3A_587 = tpu.bitcast %min3A_553 : vector<16xf32> -> vector<16xi32>
      %shift_right_arithmetic3A_588 = arith.constant 1 : i32
      %shift_right_arithmetic3A_589 = vector.broadcast %shift_right_arithmetic3A_588 : i32 to vector<16xi32>
      %shift_right_arithmetic3A_590 = arith.shrsi %bitcast_convert_type3A_587, %shift_right_arithmetic3A_589 : vector<16xi32>
      %sub3A_591 = arith.constant 1597463007 : i32
      %sub3A_592 = vector.broadcast %sub3A_591 : i32 to vector<16xi32>
      %sub3A_593 = arith.subi %sub3A_592, %shift_right_arithmetic3A_590 : vector<16xi32>
      %bitcast_convert_type3A_594 = tpu.bitcast %sub3A_593 : vector<16xi32> -> vector<16xf32>
      %mul3A_595 = arith.constant 5.000000e-01 : f32
      %mul3A_596 = vector.broadcast %mul3A_595 : f32 to vector<16xf32>
      %mul3A_597 = arith.mulf %mul3A_596, %min3A_553 : vector<16xf32>
      %mul3A_598 = arith.mulf %mul3A_597, %bitcast_convert_type3A_594 : vector<16xf32>
      %mul3A_599 = arith.mulf %mul3A_598, %bitcast_convert_type3A_594 : vector<16xf32>
      %sub3A_600 = arith.constant 1.500000e+00 : f32
      %sub3A_601 = vector.broadcast %sub3A_600 : f32 to vector<16xf32>
      %sub3A_602 = arith.subf %sub3A_601, %mul3A_599 : vector<16xf32>
      %mul3A_603 = arith.mulf %bitcast_convert_type3A_594, %sub3A_602 : vector<16xf32>
      %mul3A_604 = arith.constant 5.000000e-01 : f32
      %mul3A_605 = vector.broadcast %mul3A_604 : f32 to vector<16xf32>
      %mul3A_606 = arith.mulf %mul3A_605, %min3A_553 : vector<16xf32>
      %mul3A_607 = arith.mulf %mul3A_606, %mul3A_603 : vector<16xf32>
      %mul3A_608 = arith.mulf %mul3A_607, %mul3A_603 : vector<16xf32>
      %sub3A_609 = arith.constant 1.500000e+00 : f32
      %sub3A_610 = vector.broadcast %sub3A_609 : f32 to vector<16xf32>
      %sub3A_611 = arith.subf %sub3A_610, %mul3A_608 : vector<16xf32>
      %mul3A_612 = arith.mulf %mul3A_603, %sub3A_611 : vector<16xf32>
      %mul3A_613 = arith.constant 5.000000e-01 : f32
      %mul3A_614 = vector.broadcast %mul3A_613 : f32 to vector<16xf32>
      %mul3A_615 = arith.mulf %mul3A_614, %min3A_553 : vector<16xf32>
      %mul3A_616 = arith.mulf %mul3A_615, %mul3A_612 : vector<16xf32>
      %mul3A_617 = arith.mulf %mul3A_616, %mul3A_612 : vector<16xf32>
      %sub3A_618 = arith.constant 1.500000e+00 : f32
      %sub3A_619 = vector.broadcast %sub3A_618 : f32 to vector<16xf32>
      %sub3A_620 = arith.subf %sub3A_619, %mul3A_617 : vector<16xf32>
      %mul3A_621 = arith.mulf %mul3A_612, %sub3A_620 : vector<16xf32>
      %mul3A_622 = arith.mulf %min3A_553, %mul3A_621 : vector<16xf32>
      %add3A_623 = arith.constant 1.000000e+04 : f32
      %add3A_624 = vector.broadcast %add3A_623 : f32 to vector<16xf32>
      %add3A_625 = arith.addf %mul3A_586, %add3A_624 : vector<16xf32>
      %min3A_626 = arith.minimumf %mul3A_622, %add3A_625 : vector<16xf32>
      %get3A_627 = arith.constant 0 : index
      %get3A_628 = tpu.vector_load %arg7[%get3A_627] {strides = array<i32>} : memref<16xf32, #tpu.memory_space<vmem>>, vector<16xf32>,
      %add3A_629 = arith.constant 1.000000e+00 : f32
      %add3A_630 = vector.broadcast %add3A_629 : f32 to vector<16xf32>
      %add3A_631 = arith.addf %add3A_630, %mul3A_586 : vector<16xf32>
      %sub3A_632 = arith.subf %add3A_631, %min3A_626 : vector<16xf32>
      %mul3A_633 = arith.constant 2.44140625E-4 : f32
      %mul3A_634 = vector.broadcast %mul3A_633 : f32 to vector<16xf32>
      %mul3A_635 = arith.mulf %sub3A_632, %mul3A_634 : vector<16xf32>
      %add3A_636 = arith.addf %get3A_628, %mul3A_635 : vector<16xf32>
      %swap3A_637 = arith.constant 0 : index
      %swap3A_638 = tpu.vector_load %arg7[%swap3A_637] {strides = array<i32>} : memref<16xf32, #tpu.memory_space<vmem>>, vector<16xf32>,
      tpu.vector_store %arg7[%swap3A_637], %add3A_636 {strides = array<i32>} : memref<16xf32, #tpu.memory_space<vmem>>, vector<16xf32>,
    }
    %scan3A_18 = arith.constant 8 : i32
    "tpu.region"() ({
      %run_scoped3A = tpu.sem_alloc : memref<!tpu.dma_semaphore, #tpu.memory_space<semaphore_mem>>
      %dma_start3A_19 = arith.constant 0 : i32
      %dma_start3A_20 = tpu.memref_slice %arg4[%add3A, %dma_start3A_19] : memref<32x16xf32, #tpu.memory_space<hbm>> -> memref<1x16xf32, #tpu.memory_space<hbm>>
      %dma_start3A_21 = tpu.memref_squeeze %dma_start3A_20 : memref<1x16xf32, #tpu.memory_space<hbm>> -> memref<16xf32, #tpu.memory_space<hbm>>
      %dma_start3A_22 = arith.constant 0 : i32
      %dma_start3A_23 = tpu.memref_slice %arg4[%add3A, %dma_start3A_22] : memref<32x16xf32, #tpu.memory_space<hbm>> -> memref<1x16xf32, #tpu.memory_space<hbm>>
      %dma_start3A_24 = tpu.memref_squeeze %dma_start3A_23 : memref<1x16xf32, #tpu.memory_space<hbm>> -> memref<16xf32, #tpu.memory_space<hbm>>
      tpu.enqueue_dma source(%arg7 : memref<16xf32, #tpu.memory_space<vmem>>) target(%dma_start3A_24 : memref<16xf32, #tpu.memory_space<hbm>>) target_semaphore(%run_scoped3A : memref<!tpu.dma_semaphore, #tpu.memory_space<semaphore_mem>>)
      %dma_wait3A_25 = arith.constant 0 : i32
      %dma_wait3A_26 = tpu.memref_slice %arg4[%add3A, %dma_wait3A_25] : memref<32x16xf32, #tpu.memory_space<hbm>> -> memref<1x16xf32, #tpu.memory_space<hbm>>
      %dma_wait3A_27 = tpu.memref_squeeze %dma_wait3A_26 : memref<1x16xf32, #tpu.memory_space<hbm>> -> memref<16xf32, #tpu.memory_space<hbm>>
      %dma_wait3A_28 = arith.constant 0 : i32
      %dma_wait3A_29 = tpu.memref_slice %arg4[%add3A, %dma_wait3A_28] : memref<32x16xf32, #tpu.memory_space<hbm>> -> memref<1x16xf32, #tpu.memory_space<hbm>>
      %dma_wait3A_30 = tpu.memref_squeeze %dma_wait3A_29 : memref<1x16xf32, #tpu.memory_space<hbm>> -> memref<16xf32, #tpu.memory_space<hbm>>
      tpu.wait_dma2 semaphore(%run_scoped3A : memref<!tpu.dma_semaphore, #tpu.memory_space<semaphore_mem>>) src(%arg7 : memref<16xf32, #tpu.memory_space<vmem>>) dst(%dma_wait3A_30 : memref<16xf32, #tpu.memory_space<hbm>>)
      tpu.yield
    }) : () -> ()
    return
  }
}

module attributes {stable_mosaic.version = 14 : i64} {
  func.func @_tc_dist2_body(%arg0: i32, %arg1: memref<128x128xf32, #tpu.memory_space<vmem>>, %arg2: memref<2048x128xf32, #tpu.memory_space<vmem>>, %arg3: memref<128x2048xf32, #tpu.memory_space<vmem>>) attributes {dimension_semantics = [#tpu.dimension_semantics<arbitrary>], iteration_bounds = array<i64: 2>, scalar_prefetch = 0 : i64, scratch_operands = 0 : i64, tpu.core_type = #tpu.core_type<tc>, window_params = [{pipeline_mode = #tpu.pipeline_mode<synchronous>, transform_indices = @transform_0, window_bounds = array<i64: 128, 128>}, {transform_indices = @transform_1, window_bounds = array<i64: 2048, 128>}, {transform_indices = @transform_2, window_bounds = array<i64: 128, 2048>}]} {
    %get3A = arith.constant 0 : index
    %get3A_0 = arith.constant 0 : index
    %get3A_1 = vector.load %arg1[%get3A, %get3A_0] : memref<128x128xf32, #tpu.memory_space<vmem>>, vector<128x128xf32>
    %get3A_2 = arith.constant 0 : index
    %get3A_3 = arith.constant 0 : index
    %get3A_4 = vector.load %arg2[%get3A_2, %get3A_3] : memref<2048x128xf32, #tpu.memory_space<vmem>>, vector<2048x128xf32>
    %mul3A = arith.mulf %get3A_4, %get3A_4 : vector<2048x128xf32>
    %reduce_sum3A = arith.constant dense<0.000000e+00> : vector<2048xf32>
    %reduce_sum3A_5 = vector.multi_reduction <add>, %mul3A, %reduce_sum3A [1] : vector<2048x128xf32> to vector<2048xf32>
    %broadcast_in_dim3A = vector.shape_cast %reduce_sum3A_5 : vector<2048xf32> to vector<2048x1xf32>
    %sqrt3A = math.sqrt %broadcast_in_dim3A : vector<2048x1xf32>
    %max3A = arith.constant 9.99999996E-13 : f32
    %max3A_6 = vector.broadcast %max3A : f32 to vector<2048x1xf32>
    %max3A_7 = arith.maximumf %sqrt3A, %max3A_6 : vector<2048x1xf32>
    %div3A = vector.broadcast %max3A_7 : vector<2048x1xf32> to vector<2048x128xf32>
    %div3A_8 = arith.divf %get3A_4, %div3A : vector<2048x128xf32>
    %mul3A_9 = arith.mulf %div3A_8, %div3A_8 : vector<2048x128xf32>
    %reduce_sum3A_10 = arith.constant dense<0.000000e+00> : vector<2048xf32>
    %reduce_sum3A_11 = vector.multi_reduction <add>, %mul3A_9, %reduce_sum3A_10 [1] : vector<2048x128xf32> to vector<2048xf32>
    %convert_element_type3A = arith.truncf %div3A_8 : vector<2048x128xf32> to vector<2048x128xbf16>
    %convert_element_type3A_12 = arith.extf %convert_element_type3A : vector<2048x128xbf16> to vector<2048x128xf32>
    %sub3A = arith.subf %div3A_8, %convert_element_type3A_12 : vector<2048x128xf32>
    %convert_element_type3A_13 = arith.truncf %sub3A : vector<2048x128xf32> to vector<2048x128xbf16>
    %convert_element_type3A_14 = arith.truncf %get3A_1 : vector<128x128xf32> to vector<128x128xbf16>
    %convert_element_type3A_15 = arith.extf %convert_element_type3A_14 : vector<128x128xbf16> to vector<128x128xf32>
    %sub3A_16 = arith.subf %get3A_1, %convert_element_type3A_15 : vector<128x128xf32>
    %convert_element_type3A_17 = arith.truncf %sub3A_16 : vector<128x128xf32> to vector<128x128xbf16>
    %dot_general3A = arith.constant dense<0.000000e+00> : vector<128x2048xf32>
    %dot_general3A_18 = tpu.matmul %convert_element_type3A_14, %convert_element_type3A, %dot_general3A {dimension_numbers = #tpu.dot_dimension_numbers<[1], [1], [0], [0], [0, 0, 1, 0], [], []>, transpose_lhs_hint = false} : vector<128x128xbf16>, vector<2048x128xbf16>, vector<128x2048xf32> -> vector<128x2048xf32>
    %dot_general3A_19 = arith.constant dense<0.000000e+00> : vector<128x2048xf32>
    %dot_general3A_20 = tpu.matmul %convert_element_type3A_14, %convert_element_type3A_13, %dot_general3A_19 {dimension_numbers = #tpu.dot_dimension_numbers<[1], [1], [0], [0], [0, 0, 1, 0], [], []>, transpose_lhs_hint = false} : vector<128x128xbf16>, vector<2048x128xbf16>, vector<128x2048xf32> -> vector<128x2048xf32>
    %add3A = arith.addf %dot_general3A_18, %dot_general3A_20 : vector<128x2048xf32>
    %dot_general3A_21 = arith.constant dense<0.000000e+00> : vector<128x2048xf32>
    %dot_general3A_22 = tpu.matmul %convert_element_type3A_17, %convert_element_type3A, %dot_general3A_21 {dimension_numbers = #tpu.dot_dimension_numbers<[1], [1], [0], [0], [0, 0, 1, 0], [], []>, transpose_lhs_hint = false} : vector<128x128xbf16>, vector<2048x128xbf16>, vector<128x2048xf32> -> vector<128x2048xf32>
    %add3A_23 = arith.addf %add3A, %dot_general3A_22 : vector<128x2048xf32>
    %mul3A_24 = arith.mulf %get3A_1, %get3A_1 : vector<128x128xf32>
    %reduce_sum3A_25 = arith.constant dense<0.000000e+00> : vector<128xf32>
    %reduce_sum3A_26 = vector.multi_reduction <add>, %mul3A_24, %reduce_sum3A_25 [1] : vector<128x128xf32> to vector<128xf32>
    %broadcast_in_dim3A_27 = vector.shape_cast %reduce_sum3A_26 : vector<128xf32> to vector<128x1xf32>
    %broadcast_in_dim3A_28 = vector.shape_cast %reduce_sum3A_11 : vector<2048xf32> to vector<1x2048xf32>
    %add3A_29 = vector.broadcast %broadcast_in_dim3A_27 : vector<128x1xf32> to vector<128x2048xf32>
    %add3A_30 = vector.broadcast %broadcast_in_dim3A_28 : vector<1x2048xf32> to vector<128x2048xf32>
    %add3A_31 = arith.addf %add3A_29, %add3A_30 : vector<128x2048xf32>
    %mul3A_32 = arith.constant 2.000000e+00 : f32
    %mul3A_33 = vector.broadcast %mul3A_32 : f32 to vector<128x2048xf32>
    %mul3A_34 = arith.mulf %mul3A_33, %add3A_23 : vector<128x2048xf32>
    %sub3A_35 = arith.subf %add3A_31, %mul3A_34 : vector<128x2048xf32>
    %max3A_36 = arith.constant 0.000000e+00 : f32
    %max3A_37 = vector.broadcast %max3A_36 : f32 to vector<128x2048xf32>
    %max3A_38 = arith.maximumf %sub3A_35, %max3A_37 : vector<128x2048xf32>
    %iota3A = tpu.iota {dimensions = array<i32: 0>} : vector<128x1xi32>
    %ge3A = arith.constant 100 : i32
    %ge3A_39 = vector.broadcast %ge3A : i32 to vector<128x1xi32>
    %ge3A_40 = arith.cmpi sge, %iota3A, %ge3A_39 : vector<128x1xi32>
    %jit3A = arith.constant 1.000000e+30 : f32
    %broadcast_in_dim3A_41 = vector.shape_cast %ge3A_40 : vector<128x1xi1> to vector<128x1xi1>
    %broadcast_in_dim3A_42 = vector.broadcast %broadcast_in_dim3A_41 : vector<128x1xi1> to vector<128x2048xi1>
    %broadcast_in_dim3A_43 = vector.broadcast %jit3A : f32 to vector<128x2048xf32>
    %select_n3A = arith.select %broadcast_in_dim3A_42, %broadcast_in_dim3A_43, %max3A_38 : vector<128x2048xi1>, vector<128x2048xf32>
    %swap3A = arith.constant 0 : index
    %swap3A_44 = arith.constant 0 : index
    %swap3A_45 = vector.load %arg3[%swap3A, %swap3A_44] : memref<128x2048xf32, #tpu.memory_space<vmem>>, vector<128x2048xf32>
    tpu.vector_store %arg3[%swap3A, %swap3A_44], %select_n3A {strides = array<i32>} : memref<128x2048xf32, #tpu.memory_space<vmem>>, vector<128x2048xf32>,
    return
  }
  func.func @transform_0(%arg0: i32) -> (i32, i32) {
    %c0_i32 = arith.constant 0 : i32
    %c0_i32_0 = arith.constant 0 : i32
    %c0_i32_1 = arith.constant 0 : i32
    return %c0_i32, %c0_i32_0 : i32, i32
  }
  func.func @transform_1(%arg0: i32) -> (i32, i32) {
    %c0_i32 = arith.constant 0 : i32
    %c0_i32_0 = arith.constant 0 : i32
    return %arg0, %c0_i32 : i32, i32
  }
  func.func @transform_2(%arg0: i32) -> (i32, i32) {
    %c0_i32 = arith.constant 0 : i32
    %c0_i32_0 = arith.constant 0 : i32
    return %c0_i32, %arg0 : i32, i32
  }
}

</mosaic_0001>

<sc_bundles>
// kernel: kernel.4.cloned.1.call-start
scs
__scs_entry_jumppad:
0x0: {  	(pc) =	sbr.rel $0x88, $3  }
0x1: {  	(tag) =	ssettag $0x0;
	lr =	simm.s32 $0x1  }
0x2: {  	[smem:$0x3F9E] =	sst lr;
	_ =	strace $0xD0000000  }
0x3: {  	_ = 	snop  }
0x4: {  	_ = 	snop  }
0x5: {  	_ = 	snop  }
0x6: {  	_ = 	snop  }
0x7: {  	_ = 	snop  }
__scs_overlays_trampoline_lowered:
0x8: {  	[smem:$0x3FAD] =	sst s0  }
0x9: {  	[smem:$0x3FAE] =	sst s1  }
0xa: {  	[smem:$0x3FAF] =	sst s2  }
0xb: {  	[smem:$0x3FB0] =	sst s3  }
0xc: {  	[smem:$0x3FB1] =	sst s4  }
0xd: {  	[smem:$0x3FB2] =	sst s5  }
0xe: {  	[smem:$0x3FB3] =	sst s6  }
0xf: {  	[smem:$0x3FB4] =	sst s7  }
0x10: {  	[smem:$0x3FB5] =	sst s8  }
0x11: {  	[smem:$0x3FB6] =	sst s9;
	s0 =	simm.s32 @!p0 $0x0  }
0x12: {  	s1 =	sld [smem:$0x3F9C];
	s0 =	simm.s32 @p0 $0x1  }
0x13: {  	[smem:$0x3FB7] =	sst s0;
	s0 =	simm.s32 @!p1 $0x0  }
0x14: {  	s2 =	sld [smem:$0x3F9B];
	s0 =	simm.s32 @p1 $0x1  }
0x15: {  	[smem:$0x3FB8] =	sst s0;
	s0 =	simm.s32 @!p2 $0x0  }
0x16: {  	s3 =	sld [smem:$0x3FDB];
	s0 =	simm.s32 @p2 $0x1  }
0x17: {  	s4 =	simm.s32 $0x1BF5;
	[smem:$0x3FBA] =	sst s0  }
0x18: {  	s0 =	sld [smem:$0x3F9D];
	_ =	swait.ge [sflag:s4], $0x0  }
0x19: {  	s7 =	sld [smem:$0x3F9E]  }
0x1a: {  	s8 =	sadd.s32 $0xFFFFE003, lr  }
0x1b: {  	s9 =	sadd.s32 $0xFFFFFEF7, lr;
	s5 =	simm.s32 $0xFFFFFFFF;
	p2 =	slt.u32 s8, $0xFFFFF086  }
0x1c: {  	p1 =	slt.u32 s9, $0xF7A;
	s5 =	simm.s32 @!p2 $0x0  }
0x1d: {  	s5 =	simm.s32 @p1 $0x1;
	p0 =	seq.s32 s7, s2  }
0x1e: {  	s7 =	smul.u32 @!p0 $0xF7A, s2;
	p2 =	seq.s32 @!p0 s5, $0x0  }
0x1f: {  	s9 =	smul.u32 $0xF7A, s1;
	s8 =	simm.s32 @!p0 $0x1BF5;
	p2 =	por !p2, p0  }
0x20: {  	[sflag:s8] =	ssyncset.s32 @!p0 $0xFFFFF086;
	s6 =	sadd.s32 @!p0 s3, s7;
	s7 =	simm.s32 @!p0 $0x108  }
0x21: {  	s3 =	sadd.s32 s3, s9;
	s6 =	sadd.s32 @!p0 $0x88, s6;
	s7 =	simm.s32 @p2 $0x1082  }
0x22: {  	[simem:s7], [sflag:s8] =	dma.local @!p0 [hbm:s6], $0xF7A  }
0x23: {  	s9 =	sor.u32 $0xD0000000, s2;
	s6 =	simm.s32 $0x108;
	_ =	swait.ge @!p0 [sflag:s8], $0x0  }
0x24: {  	s3 =	sadd.s32 $0x88, s3;
	s6 =	simm.s32 @!p1 $0x1082;
	[sflag:s4] =	ssyncset.s32 $0xFFFFF086  }
0x25: {  	[simem:s6], [sflag:s4] =	dma.local [hbm:s3], $0xF7A  }
0x26: {  	[smem:$0x3F9E] =	sst s1;
	(tag) =	ssettag s2;
	_ =	strace s9  }
0x27: {  	s1 =	sld [smem:$0x3FAE]  }
0x28: {  	s2 =	sld [smem:$0x3FAF]  }
0x29: {  	s4 =	sld [smem:$0x3FB1]  }
0x2a: {  	p0 =	seq.s32 s5, $0x0;
	s5 =	sld [smem:$0x3FB2]  }
0x2b: {  	s6 =	sld [smem:$0x3FB3]  }
0x2c: {  	s7 =	sld [smem:$0x3FB4]  }
0x2d: {  	s3 =	simm.s32 $0x108;
	s8 =	sld [smem:$0x3FB5]  }
0x2e: {  	s3 =	simm.s32 @!p0 $0x1082;
	s9 =	sld [smem:$0x3FB6]  }
0x2f: {  	lr =	sadd.s32 s0, s3;
	s0 =	sld [smem:$0x3FAD]  }
0x30: {  	s3 =	sld [smem:$0x3FB0]  }
0x31: {  	[smem:$0x3FB9] =	sst s10  }
0x32: {  	s10 =	sld [smem:$0x3FB7];
	_ =	sdelay $0x3  }
0x33: {  	p0 =	seq.s32 s10, $0x1;
	s10 =	sld [smem:$0x3FB9];
	_ =	sdelay $0x3  }
0x34: {  	[smem:$0x3FB9] =	sst s10  }
0x35: {  	s10 =	sld [smem:$0x3FB8];
	_ =	sdelay $0x3  }
0x36: {  	p1 =	seq.s32 s10, $0x1;
	s10 =	sld [smem:$0x3FB9];
	_ =	sdelay $0x3  }
0x37: {  	[smem:$0x3FB9] =	sst s10  }
0x38: {  	s10 =	sld [smem:$0x3FBA]  }
0x39: {  	_ = 	snop;
	(pc) =	sbr.ind lr, $3  }
0x3a: {  	_ = 	snop  }
0x3b: {  	_ = 	snop  }
0x3c: {  	p2 =	seq.s32 s10, $0x1;
	s10 =	sld [smem:$0x3FB9]  }
0x3d: {  	_ =	shalt  }
0x3e: {  	_ =	shalt  }
0x3f: {  	_ =	shalt  }
0x40: {  	_ =	shalt  }
0x41: {  	_ =	shalt  }
0x42: {  	_ =	shalt  }
0x43: {  	_ =	shalt  }
0x44: {  	_ =	shalt  }
0x45: {  	_ =	shalt  }
0x46: {  	_ =	shalt  }
0x47: {  	_ =	shalt  }
0x48: {  	_ =	shalt  }
0x49: {  	_ =	shalt  }
0x4a: {  	_ =	shalt  }
0x4b: {  	_ =	shalt  }
0x4c: {  	_ =	shalt  }
0x4d: {  	_ =	shalt  }
0x4e: {  	_ =	shalt  }
0x4f: {  	_ =	shalt  }
0x50: {  	_ =	shalt  }
0x51: {  	_ =	shalt  }
0x52: {  	_ =	shalt  }
0x53: {  	_ =	shalt  }
0x54: {  	_ =	shalt  }
0x55: {  	_ =	shalt  }
0x56: {  	_ =	shalt  }
0x57: {  	_ =	shalt  }
0x58: {  	_ =	shalt  }
0x59: {  	_ =	shalt  }
0x5a: {  	_ =	shalt  }
0x5b: {  	_ =	shalt  }
0x5c: {  	_ =	shalt  }
0x5d: {  	_ =	shalt  }
0x5e: {  	_ =	shalt  }
0x5f: {  	_ =	shalt  }
0x60: {  	_ =	shalt  }
0x61: {  	_ =	shalt  }
0x62: {  	_ =	shalt  }
0x63: {  	_ =	shalt  }
0x64: {  	_ =	shalt  }
0x65: {  	_ =	shalt  }
0x66: {  	_ =	shalt  }
0x67: {  	_ =	shalt  }
0x68: {  	_ =	shalt  }
0x69: {  	_ =	shalt  }
0x6a: {  	_ =	shalt  }
0x6b: {  	_ =	shalt  }
0x6c: {  	_ =	shalt  }
0x6d: {  	_ =	shalt  }
0x6e: {  	_ =	shalt  }
0x6f: {  	_ =	shalt  }
0x70: {  	_ =	shalt  }
0x71: {  	_ =	shalt  }
0x72: {  	_ =	shalt  }
0x73: {  	_ =	shalt  }
0x74: {  	_ =	shalt  }
0x75: {  	_ =	shalt  }
0x76: {  	_ =	shalt  }
0x77: {  	_ =	shalt  }
0x78: {  	_ =	shalt  }
0x79: {  	_ =	shalt  }
0x7a: {  	_ =	shalt  }
0x7b: {  	_ =	shalt  }
0x7c: {  	_ =	shalt  }
0x7d: {  	_ =	shalt  }
0x7e: {  	_ =	shalt  }
0x7f: {  	_ =	shalt  }
0x80: {  	_ =	shalt  }
0x81: {  	_ =	shalt  }
0x82: {  	_ =	shalt  }
0x83: {  	_ =	shalt  }
0x84: {  	_ =	shalt  }
0x85: {  	_ =	shalt  }
0x86: {  	_ =	shalt  }
0x87: {  	_ =	shalt  }
.Lfunc_end0:
.L_simem_size_0:
called_computation_lowered:
.L_overlay_start_0:
0x88: {  	s2 =	sld [smem:$0x3FD9]  }
0x89: {  	s3 =	sld [smem:$0x3FFE];
	_ =	sdelay $0x1  }
0x8a: {  	s1 =	srdreg.scid  }
0x8b: {  	s0 =	sand.u32 $0x1, s1  }
0x8c: {  	s17 =	sshll.u32 s0, $0xA;
	s2 =	sadd.s32 s3, s2  }
0x8d: {  	s2 =	sadd.s32 s2, s17  }
0x8e: {  	[smem:$0x3FC5] =	sst s2  }
0x8f: {  	_ = 	snop  }
0x90: {  	s2 =	sld [smem:$0x3FC7];
	(tm) =	ssettm $0x1  }
0x91: {  	s18 =	sld [smem:$0x3FFB];
	_ =	sdelay $0x3  }
0x92: {  	_ =	strace s18  }
0x93: {  	s3 =	sld [smem:$0x3FFC];
	_ =	sdelay $0x3  }
0x94: {  	_ =	strace s3  }
0x95: {  	s3 =	sld [smem:$0x3FFD];
	_ =	sdelay $0x3  }
0x96: {  	_ =	strace s3  }
0x97: {  	_ =	strace $0x8FFFFFFF  }
0x98: {  	s19 =	sld [smem:$0x3FDB];
	_ =	sdelay $0x1  }
0x99: {  	s4 =	simm.s32 $_scs_section_size  }
0x9a: {  	s5 =	simm.s32 $_size__tile_overlayer_lowered;
	s6 =	simm.s32 $_tile_overlayer_lowered  }
0x9b: {  	s22 =	simm.s32 $0x1BFF;
	s21 =	sshll.u32 s6, $0x1;
	s3 =	sadd.s32 s4, s19  }
0x9c: {  	s7 =	simm.s32 $0x0;
	s20 =	sshll.u32 s5, $0x1;
	s5 =	sadd.s32 s21, s3  }
0x9d: {  	[timem:s7], [sflag:s22] =	dma.local [hbm:s5], s20  }
0x9e: {  	_ =	swait.ge [sflag:s22], s20  }
0x9f: {  	s4 =	ssub.s32 $0x0, s20;
	[sflag:s22] =	ssyncset.done $0x0  }
0xa0: {  	[sflag:s22] =	ssyncadd.s32 s4;
	_ =	sdelay $0x1  }
0xa1: {  	s23 =	simm.s32 $0x1B8B  }
0xa2: {  	_ =	swait.ge [sflag:s23], $0x1  }
0xa3: {  	[sflag:s23] =	ssyncset.done $0x0  }
0xa4: {  	s25 =	simm.s32 $0x1B8E;
	s24 =	sld [smem:$0x3FFE];
	[sflag:s23] =	ssyncadd.s32 $0xFFFFFFFF  }
0xa5: {  	s26 =	simm.s32 $execute0_lowered;
	[smem:$0x3FD2] =	sst s25  }
0xa6: {  	s5 =	sshll.u32 s26, $0x1;
	_ =	strace $0x80000046;
	[dreg:$0x1] =	wrdreg $0xFFFFFFFF  }
0xa7: {  	s28 =	simm.s32 $_size_execute0_lowered;
	s3 =	sadd.s32 s3, s5;
	[dreg:$0x0] =	wrdreg $0x0  }
0xa8: {  	s5 =	sshll.u32 s28, $0x1;
	[dreg:$0x2] =	wrdreg s3  }
0xa9: {  	[dreg:$0x3] =	wrdreg s5  }
0xaa: {  	[dreg:$0x4] =	wrdreg $0xC0  }
0xab: {  	_ =	task [dreg:s7], $0x5FFFF  }
0xac: {  	[dreg:$0x1] =	wrdreg $0xFFFFFFFF  }
0xad: {  	[dreg:$0x0] =	wrdreg $0x60  }
0xae: {  	[dreg:$0x2] =	wrdreg s24  }
0xaf: {  	[dreg:$0x3] =	wrdreg s2  }
0xb0: {  	[dreg:$0x4] =	wrdreg $0x9  }
0xb1: {  	_ =	task.clear_ibuf [dreg:s7], $0x5FFFF;
	_ =	strace $0x90000046  }
0xb2: {  	s29 =	simm.s32 $0x9;
	_ =	strace $0x80000048  }
0xb3: {  	_ =	swait.ge [sflag:s29], $0x1  }
0xb4: {  	[sflag:s29] =	ssyncadd.s32 $0xFFFFFFFF  }
0xb5: {  	_ =	strace $0x90000048  }
0xb6: {  	_ =	sfence  }
0xb7: {  	s30 =	sld [smem:$0x0];
	_ =	sdelay $0x2  }
0xb8: {  	s31 =	sshll.u32 s1, $0xD;
	s1 =	sshrl.u32 s1, $0x2  }
0xb9: {  	s3 =	sand.u32 $0x4000, s31;
	s1 =	sadd.s32 s1, s30  }
0xba: {  	s0 =	sor.u32 s3, s0;
	s1 =	sshll.u32 s1, $0x11  }
0xbb: {  	s0 =	sor.u32 s1, s0  }
0xbc: {  	s0 =	sadd.s32 $0x8F2B, s0  }
0xbd: {  	[sflag:s0] =	ssyncadd.remote.s32 $0x1  }
0xbe: {  	_ =	sfence.sel $0xFFFF  }
0xbf: {  	[dreg:$0x0] =	wrdreg $0xFFFFFFFF;
	(pc) =	sbr.abs _section_cstart, $3  }
0xc0: {  	[dreg:$0x1] =	wrdreg $0xFFFFFFFF  }
0xc1: {  	_ =	task.clear_ibuf [dreg:s7], $0x2FFFF;
	_ =	strace $0x9FFFFFFF  }
0xc2: {  	(tm) =	ssettm $0x7FFFFFFF  }
0xc3: {  	_ =	shalt  }
tec
execute0_lowered:
.L_overlay_start_1:
0x0: {  	(tag) =	ssettag $0x1  }
0x1: {  	s3 =	rddreg [dreg:$0x0]  }
0x2: {  	s4 =	rddreg [dreg:$0x1]  }
0x3: {  	s0 =	rddreg [dreg:$0x2];
	s2 =	simm.s32 $0x0;
	s5 =	srdreg.scid  }
0x4: {  	s1 =	stileid.u32;
	s10 =	simm.s32 $0x1;
	s11 =	simm.s32 $0x4080  }
0x5: {  	s12 =	simm.s32 $0x3;
	s5 =	sand.u32 $0x1, s5;
	s6 =	sshll.u32 s1, $0x1  }
0x6: {  	s13 =	simm.s32 $0x0;
	[smem:$0x7FF] =	sst s2;
	s6 =	sor.u32 s5, s6  }
0x7: {  	_ =	strace $0x80000047;
	s5 =	ssub.s32 $0x2, s5;
	s7 =	sshll.u32 s6, $0x7  }
0x8: {  	s6 =	sshll.u32 s6, $0x4;
	s31 =	sshrl.u32 s5, $0x1;
	s7 =	sadd.s32 s7, s3  }
0x9: {  	s8 =	sadd.s32 s6, s3;
	s9 =	ssub.s32 s5, s31;
	s4 =	sadd.s32 s4, s6  }
0xa: {  	s3 =	sadd.s32 $0x400, s7;
	s5 =	sadd.s32 $0x10400, s8;
	s6 =	smax.u32 s9, $0x1  }
0xb: {  	v1 =	vlaneseq.u32;
	v2 =	vimm.f32 $1.000000020e+30;
	s7 =	simm.s32 $0x400;
	s8 =	simm.s32 $0x8000;
	s9 =	simm.s32 $0x2  }
.LBB2_1:
0xc: {  	[tilespmem:s2], [sflag:$0x1] =	stream.strided.gather [hbm4b:s3+s7], $0x4000, s8, s7, $0x38;
	[tilespmem:$0x4100] =	vst v63  }
0xd: {  	s14 =	simm.s32 $0x4000  }
0xe: {  	[tilespmem:s14], [sflag:$0x2] =	stream.linear.gather [hbm4b:s4+s2], $0x80, $0x38;
	[tilespmem:$0x4100] =	vst v63  }
0xf: {  	_ =	swait.ge [sflag:s9], $0x80  }
0x10: {  	[sflag:s9] =	ssyncset.done $0x0  }
0x11: {  	[sflag:s9] =	ssyncadd.s32 $0xFFFFFF80  }
0x12: {  	_ =	swait.ge [sflag:s10], $0x4000  }
0x13: {  	[sflag:s10] =	ssyncset.done $0x0  }
0x14: {  	v0 =	vimm.f32 $0.0e+00;
	[sflag:s10] =	ssyncadd.s32 $0xFFFFC000  }
0x15: {  	s15 =	simm.s32 $0x1900;
	s16 =	simm.s32 $0x0;
	[tilespmem:$0x4080] =	vst v0  }
.LBB2_2:
0x16: {  	v3 =	vld [tilespmem:s14+$0x0];
	_ =	sdelay $0x4  }
0x17: {  	v3 =	vshll.u32 v3, $0x7  }
0x18: {  	v3 =	vadd.s32 s16, v3  }
0x19: {  	v4 =	vadd.s32 v1, v3;
	_ =	sdelay $0x4  }
0x1a: {  	v0 =	vld.idx.msk [tilespmem:v4+s2+$0x0], $0xffff;
	[tilespmem:v4+s2+$0x0] =	vst.idx.msk $0xffff, v2  }
0x1b: {  	v4 =	vld [tilespmem:s15+$0xFFFFE700]  }
0x1c: {  	v5 =	vld [tilespmem:s15+$0xFFFFE780]  }
0x1d: {  	v6 =	vld [tilespmem:s15+$0xFFFFE800]  }
0x1e: {  	v7 =	vld [tilespmem:s15+$0xFFFFE880]  }
0x1f: {  	v8 =	vld [tilespmem:s15+$0xFFFFE900]  }
0x20: {  	v9 =	vld [tilespmem:s15+$0xFFFFE980]  }
0x21: {  	v10 =	vld [tilespmem:s15+$0xFFFFEA00]  }
0x22: {  	v11 =	vld [tilespmem:s15+$0xFFFFEA80]  }
0x23: {  	v12 =	vld [tilespmem:s15+$0xFFFFEB00]  }
0x24: {  	v13 =	vld [tilespmem:s15+$0xFFFFEB80]  }
0x25: {  	v14 =	vld [tilespmem:s15+$0xFFFFEC00]  }
0x26: {  	v15 =	vld [tilespmem:s15+$0xFFFFEC80]  }
0x27: {  	v16 =	vld [tilespmem:s15+$0xFFFFED00]  }
0x28: {  	v17 =	vld [tilespmem:s15+$0xFFFFED80]  }
0x29: {  	v18 =	vld [tilespmem:s15+$0xFFFFEE00]  }
0x2a: {  	v19 =	vld [tilespmem:s15+$0xFFFFEE80]  }
0x2b: {  	v20 =	vld [tilespmem:s15+$0xFFFFEF00]  }
0x2c: {  	v21 =	vld [tilespmem:s15+$0xFFFFEF80]  }
0x2d: {  	v22 =	vld [tilespmem:s15+$0xFFFFF000]  }
0x2e: {  	v23 =	vld [tilespmem:s15+$0xFFFFF080]  }
0x2f: {  	v24 =	vld [tilespmem:s15+$0xFFFFF100]  }
0x30: {  	v25 =	vld [tilespmem:s15+$0xFFFFF180]  }
0x31: {  	v26 =	vld [tilespmem:s15+$0xFFFFF200]  }
0x32: {  	v27 =	vld [tilespmem:s15+$0xFFFFF280]  }
0x33: {  	v28 =	vld [tilespmem:s15+$0xFFFFF300]  }
0x34: {  	v29 =	vld [tilespmem:s15+$0xFFFFF380]  }
0x35: {  	v30 =	vld [tilespmem:s15+$0xFFFFF400]  }
0x36: {  	v31 =	vld [tilespmem:s15+$0xFFFFF480]  }
0x37: {  	v32 =	vld [tilespmem:s15+$0xFFFFF500]  }
0x38: {  	v33 =	vld [tilespmem:s15+$0xFFFFF580]  }
0x39: {  	v34 =	vld [tilespmem:s15+$0xFFFFF600]  }
0x3a: {  	v35 =	vld [tilespmem:s15+$0xFFFFF680]  }
0x3b: {  	v36 =	vld [tilespmem:s15+$0xFFFFF700]  }
0x3c: {  	v37 =	vld [tilespmem:s15+$0xFFFFF780]  }
0x3d: {  	v38 =	vld [tilespmem:s15+$0xFFFFF800]  }
0x3e: {  	v39 =	vld [tilespmem:s15+$0xFFFFF880]  }
0x3f: {  	v40 =	vld [tilespmem:s15+$0xFFFFF900]  }
0x40: {  	v41 =	vld [tilespmem:s15+$0xFFFFF980]  }
0x41: {  	v42 =	vld [tilespmem:s15+$0xFFFFFA00]  }
0x42: {  	v43 =	vld [tilespmem:s15+$0xFFFFFA80]  }
0x43: {  	v44 =	vld [tilespmem:s15+$0xFFFFFB00]  }
0x44: {  	v45 =	vld [tilespmem:s15+$0xFFFFFB80]  }
0x45: {  	v46 =	vld [tilespmem:s15+$0xFFFFFC00]  }
0x46: {  	v47 =	vld [tilespmem:s15+$0xFFFFFC80]  }
0x47: {  	v48 =	vld [tilespmem:s15+$0xFFFFFD00]  }
0x48: {  	v49 =	vld [tilespmem:s15+$0xFFFFFD80]  }
0x49: {  	v50 =	vld [tilespmem:s15+$0xFFFFFE00]  }
0x4a: {  	v51 =	vld [tilespmem:s15+$0xFFFFFE80]  }
0x4b: {  	v52 =	vld [tilespmem:s15+$0xFFFFFF00]  }
0x4c: {  	v53 =	vld [tilespmem:s15+$0xFFFFFF80]  }
0x4d: {  	v54 =	vld [tilespmem:s15+$0x0]  }
0x4e: {  	v55 =	vld [tilespmem:s15+$0x80]  }
0x4f: {  	v56 =	vld [tilespmem:s15+$0x100]  }
0x50: {  	v57 =	vld [tilespmem:s15+$0x180]  }
0x51: {  	v58 =	vld [tilespmem:s15+$0x200]  }
0x52: {  	v59 =	vld [tilespmem:s15+$0x280]  }
0x53: {  	v60 =	vld [tilespmem:s15+$0x300]  }
0x54: {  	v61 =	vld [tilespmem:s15+$0x380]  }
0x55: {  	v62 =	vld [tilespmem:s15+$0x400]  }
0x56: {  	v3 =	vld [tilespmem:s15+$0x680]  }
0x57: {  	v63 =	vld [tilespmem:s15+$0x480]  }
0x58: {  	v1 =	vld [tilespmem:s15+$0x580]  }
0x59: {  	v2 =	vld [tilespmem:s15+$0x600]  }
0x5a: {  	[tilespmem:$0x1FFF0] =	vst v0;
	v0 =	vld [tilespmem:s15+$0x500]  }
0x5b: {  	[tilespmem:$0x1FF70] =	vst v3;
	v3 =	vld [tilespmem:s15+$0x700];
	v4 =	vmin.f32 v4, $1.000000020e+30  }
0x5c: {  	v5 =	vmin.f32 v5, $1.000000020e+30;
	v4 =	vmin.f32 v4, v12;
	v12 =	vld [tilespmem:s15+$0xA80]  }
0x5d: {  	v6 =	vmin.f32 v6, $1.000000020e+30;
	v5 =	vmin.f32 v5, v13;
	v13 =	vld [tilespmem:s15+$0xB00]  }
0x5e: {  	v7 =	vmin.f32 v7, $1.000000020e+30;
	v6 =	vmin.f32 v6, v14;
	v14 =	vld [tilespmem:s15+$0xB80]  }
0x5f: {  	v8 =	vmin.f32 v8, $1.000000020e+30;
	v7 =	vmin.f32 v7, v15;
	v15 =	vld [tilespmem:s15+$0xC00]  }
0x60: {  	v9 =	vmin.f32 v9, $1.000000020e+30;
	v8 =	vmin.f32 v8, v16;
	v16 =	vld [tilespmem:s15+$0xC80]  }
0x61: {  	v10 =	vmin.f32 v10, $1.000000020e+30;
	v9 =	vmin.f32 v9, v17;
	v17 =	vld [tilespmem:s15+$0xD00]  }
0x62: {  	v11 =	vmin.f32 v11, $1.000000020e+30;
	v10 =	vmin.f32 v10, v18;
	v18 =	vld [tilespmem:s15+$0xD80]  }
0x63: {  	v11 =	vmin.f32 v11, v19;
	v19 =	vld [tilespmem:s15+$0xE00]  }
0x64: {  	[tilespmem:$0x1FF80] =	vst v3;
	v3 =	vld [tilespmem:s15+$0x780]  }
0x65: {  	v4 =	vmin.f32 v4, v20;
	v20 =	vld [tilespmem:s15+$0xE80]  }
0x66: {  	v5 =	vmin.f32 v5, v21;
	v21 =	vld [tilespmem:s15+$0xF00]  }
0x67: {  	v6 =	vmin.f32 v6, v22;
	v22 =	vld [tilespmem:s15+$0xF80]  }
0x68: {  	v7 =	vmin.f32 v7, v23;
	v23 =	vld [tilespmem:s15+$0x1000]  }
0x69: {  	[tilespmem:$0x1FF90] =	vst v3;
	v3 =	vld [tilespmem:s15+$0x800]  }
0x6a: {  	v8 =	vmin.f32 v8, v24;
	v24 =	vld [tilespmem:s15+$0x1080]  }
0x6b: {  	v9 =	vmin.f32 v9, v25;
	v25 =	vld [tilespmem:s15+$0x1100]  }
0x6c: {  	v10 =	vmin.f32 v10, v26;
	v9 =	vmin.f32 v9, v33;
	v33 =	vld [tilespmem:s15+$0x1180]  }
0x6d: {  	v10 =	vmin.f32 v10, v34;
	v34 =	vld [tilespmem:s15+$0x1200]  }
0x6e: {  	v11 =	vmin.f32 v11, v27;
	[tilespmem:$0x1FFA0] =	vst v3;
	v3 =	vld [tilespmem:s15+$0x880]  }
0x6f: {  	v4 =	vmin.f32 v4, v28;
	v11 =	vmin.f32 v11, v35;
	v35 =	vld [tilespmem:s15+$0x1280]  }
0x70: {  	v5 =	vmin.f32 v5, v29;
	v4 =	vmin.f32 v4, v36;
	v36 =	vld [tilespmem:s15+$0x1300]  }
0x71: {  	v6 =	vmin.f32 v6, v30;
	v5 =	vmin.f32 v5, v37;
	v37 =	vld [tilespmem:s15+$0x1380]  }
0x72: {  	v6 =	vmin.f32 v6, v38;
	v38 =	vld [tilespmem:s15+$0x1400]  }
0x73: {  	v7 =	vmin.f32 v7, v31;
	[tilespmem:$0x1FFB0] =	vst v3;
	v3 =	vld [tilespmem:s15+$0x900]  }
0x74: {  	v7 =	vmin.f32 v7, v39;
	v39 =	vld [tilespmem:s15+$0x1480]  }
0x75: {  	v8 =	vmin.f32 v8, v32;
	v10 =	vmin.f32 v10, v42;
	v42 =	vld [tilespmem:s15+$0x1500]  }
0x76: {  	v8 =	vmin.f32 v8, v40;
	v10 =	vmin.f32 v10, v50;
	v50 =	vld [tilespmem:s15+$0x1700]  }
0x77: {  	v9 =	vmin.f32 v9, v41;
	v11 =	vmin.f32 v11, v43;
	v4 =	vmin.f32 v4, v44;
	v40 =	vld [tilespmem:$0x1FF80]  }
0x78: {  	v5 =	vmin.f32 v5, v45;
	v6 =	vmin.f32 v6, v46;
	v7 =	vmin.f32 v7, v47;
	[tilespmem:$0x1FFC0] =	vst v3;
	v3 =	vld [tilespmem:s15+$0x980]  }
0x79: {  	v8 =	vmin.f32 v8, v48;
	v9 =	vmin.f32 v9, v49;
	v11 =	vmin.f32 v11, v51;
	v41 =	vld [tilespmem:$0x1FF90]  }
0x7a: {  	v51 =	vld [tilespmem:s15+$0x1780];
	v4 =	vmin.f32 v4, v52;
	v5 =	vmin.f32 v5, v53;
	v6 =	vmin.f32 v6, v54  }
0x7b: {  	v7 =	vmin.f32 v7, v55;
	v8 =	vmin.f32 v8, v56;
	v9 =	vmin.f32 v9, v57;
	v43 =	vld [tilespmem:$0x1FFA0]  }
0x7c: {  	v10 =	vmin.f32 v10, v58;
	v11 =	vmin.f32 v11, v59;
	v4 =	vmin.f32 v4, v60;
	v44 =	vld [tilespmem:$0x1FFB0]  }
0x7d: {  	v5 =	vmin.f32 v5, v61;
	v6 =	vmin.f32 v6, v62;
	v4 =	vmin.f32 v4, v40;
	[tilespmem:$0x1FFD0] =	vst v3;
	v3 =	vld [tilespmem:s15+$0xA00]  }
0x7e: {  	v52 =	vld [tilespmem:s15+$0x1800];
	v7 =	vmin.f32 v7, v63;
	v4 =	vmin.f32 v4, v13;
	v5 =	vmin.f32 v5, v41  }
0x7f: {  	v0 =	vmin.f32 v8, v0;
	v4 =	vmin.f32 v4, v21;
	v5 =	vmin.f32 v5, v14;
	v45 =	vld [tilespmem:$0x1FFC0]  }
0x80: {  	v53 =	vld [tilespmem:s15+$0x1880];
	v1 =	vmin.f32 v9, v1;
	v4 =	vmin.f32 v4, v36;
	v5 =	vmin.f32 v5, v22  }
0x81: {  	v2 =	vmin.f32 v10, v2;
	v4 =	vmin.f32 v4, v50;
	v5 =	vmin.f32 v5, v37;
	v47 =	vld [tilespmem:$0x1FFD0]  }
0x82: {  	v5 =	vmin.f32 v5, v51;
	v6 =	vmin.f32 v6, v43;
	v7 =	vmin.f32 v7, v44;
	[tilespmem:$0x1FFE0] =	vst v3;
	v3 =	vld [tilespmem:$0x1FF70]  }
0x83: {  	v4 =	vmin.f32 v4, v5;
	v6 =	vmin.f32 v6, v15;
	v7 =	vmin.f32 v7, v16;
	v48 =	vld [tilespmem:$0x1FFE0]  }
0x84: {  	v46 =	vld [tilespmem:s15+$0x1580];
	v6 =	vmin.f32 v6, v23;
	v7 =	vmin.f32 v7, v24;
	v0 =	vmin.f32 v0, v45  }
0x85: {  	v49 =	vld [tilespmem:s15+$0x1600];
	v6 =	vmin.f32 v6, v38;
	v7 =	vmin.f32 v7, v39;
	v0 =	vmin.f32 v0, v17  }
0x86: {  	v54 =	vld [tilespmem:s15+$0x1680];
	v6 =	vmin.f32 v6, v52;
	v7 =	vmin.f32 v7, v53;
	v0 =	vmin.f32 v0, v25  }
0x87: {  	v55 =	vmin.f32 v6, v7;
	v0 =	vmin.f32 v0, v42;
	v3 =	vmin.f32 v11, v3  }
0x88: {  	v56 =	vld [tilespmem:$0x1FFF0];
	v1 =	vmin.f32 v1, v47;
	v2 =	vmin.f32 v2, v48;
	v3 =	vmin.f32 v3, v12  }
0x89: {  	v1 =	vmin.f32 v1, v18;
	v2 =	vmin.f32 v2, v19;
	v3 =	vmin.f32 v3, v20  }
0x8a: {  	v1 =	vmin.f32 v1, v33;
	v2 =	vmin.f32 v2, v34;
	v3 =	vmin.f32 v3, v35  }
0x8b: {  	v1 =	vmin.f32 v1, v46;
	v2 =	vmin.f32 v2, v49;
	v3 =	vmin.f32 v3, v54  }
0x8c: {  	v0 =	vmin.f32 v0, v1;
	v1 =	vmin.f32 v2, v3;
	v2 =	vmin.f32 v4, v55  }
0x8d: {  	v3 =	vmul.f32 $5.000000000e-01, v56;
	v0 =	vmin.f32 v0, v1;
	v1 =	vshra.s32 v56, $0x1  }
0x8e: {  	v0 =	vmin.f32 v2, v0;
	v1 =	vsub.s32 $0x5F3759DF, v1  }
0x8f: {  	v2 =	vmul.f32 v1, v3;
	v57 =	vshra.s32 v0, $0x1;
	v58 =	vmul.f32 $5.000000000e-01, v0  }
0x90: {  	v4 =	vsub.s32 $0x5F3759DF, v57  }
0x91: {  	v2 =	vmul.f32 v1, v2;
	v59 =	vmul.f32 v4, v58;
	_ =	sdelay $0x1  }
0x92: {  	v2 =	vsub.f32 $1.500000000e+00, v2;
	v6 =	vmul.f32 v4, v59;
	_ =	sdelay $0x1  }
0x93: {  	v1 =	vmul.f32 v1, v2;
	v2 =	vsub.f32 $1.500000000e+00, v6;
	_ =	sdelay $0x1  }
0x94: {  	v60 =	vmul.f32 v1, v3;
	v2 =	vmul.f32 v4, v2;
	_ =	sdelay $0x1  }
0x95: {  	v61 =	vmul.f32 v60, v1;
	v62 =	vmul.f32 v2, v58;
	_ =	sdelay $0x1  }
0x96: {  	v4 =	vsub.f32 $1.500000000e+00, v61;
	v6 =	vmul.f32 v62, v2;
	_ =	sdelay $0x1  }
0x97: {  	v1 =	vmul.f32 v4, v1;
	v63 =	vsub.f32 $1.500000000e+00, v6;
	_ =	sdelay $0x1  }
0x98: {  	v3 =	vmul.f32 v1, v3;
	v2 =	vmul.f32 v63, v2;
	_ =	sdelay $0x1  }
0x99: {  	v3 =	vmul.f32 v3, v1;
	v4 =	vmul.f32 v2, v58;
	_ =	sdelay $0x1  }
0x9a: {  	v3 =	vsub.f32 $1.500000000e+00, v3;
	v4 =	vmul.f32 v4, v2;
	_ =	sdelay $0x1  }
0x9b: {  	v1 =	vmul.f32 v3, v1;
	v3 =	vsub.f32 $1.500000000e+00, v4;
	_ =	sdelay $0x1  }
0x9c: {  	v1 =	vmul.f32 v1, v56;
	v2 =	vmul.f32 v3, v2;
	_ =	sdelay $0x1  }
0x9d: {  	v0 =	vmul.f32 v2, v0;
	v2 =	vadd.f32 $1.000000000e+04, v1  }
0x9e: {  	v1 =	vadd.f32 $1.000000000e+00, v1  }
0x9f: {  	v0 =	vmin.f32 v0, v2;
	v2 =	vld [tilespmem:$0x4080]  }
0xa0: {  	v0 =	vsub.f32 v1, v0  }
0xa1: {  	p0 =	sne.s32 s16, $0x70  }
.Ltmp0:
0xa2: {  	v0 =	vmul.f32 $2.441406250e-04, v0;
	(pc) =	sbr.rel @p0 .LBB2_2-.Ltmp0, $3  }
0xa3: {  	_ = 	snop  }
0xa4: {  	v0 =	vadd.f32 v0, v2;
	_ =	sdelay $0x1  }
0xa5: {  	s14 =	sadd.s32 $0x10, s14;
	s16 =	sadd.s32 $0x10, s16;
	s15 =	sadd.s32 $0x10, s15;
	v1 =	vlaneseq.u32;
	v2 =	vimm.f32 $1.000000020e+30;
	[tilespmem:$0x4080] =	vst v0  }
0xa6: {  	s13 =	sadd.s32 $0x1, s13  }
0xa7: {  	p0 =	sne.s32 s13, s6  }
.Ltmp1:
0xa8: {  	_ = 	snop;
	(pc) =	sbr.rel @p0 .LBB2_1-.Ltmp1, $4  }
0xa9: {  	[hbm4b:s5+s2] =	stream.linear.scatter [tilespmem:s11], [sflag:$0x3], $0x80, $0x38;
	[tilespmem:$0x4100] =	vst v63  }
0xaa: {  	_ =	swait.ge [sflag:s12], $0x80  }
0xab: {  	[sflag:s12] =	ssyncset.done $0x0  }
0xac: {  	[sflag:s12] =	ssyncadd.s32 $0xFFFFFF80  }
0xad: {  	_ =	sfence.sel $0x180000  }
0xae: {  	[bflag:$0x0] =	sbarrier.arrive $0xFFFF  }
0xaf: {  	p0 =	sne.s32 s1, $0x0;
	_ =	strace $0x90000047  }
0xb0: {  	s0 =	sadd.s32 @!p0 $0x100000, s0;
	[bflag:$0x2] =	sbarrier.arrive $0xFFFF  }
0xb1: {  	[sflag:s0] =	ssyncadd.tile.s32 @!p0 $0x1;
	_ =	shalt  }
.Lfunc_end2:
_tile_overlayer_lowered:
.L_overlay_start_2:
0xb2: {  	(tag) =	ssettag $0x2  }
0xb3: {  	s0 =	rddreg [dreg:$0x0];
	s2 =	stileid.u32  }
0xb4: {  	s1 =	rddreg [dreg:$0x1];
	p0 =	sne.s32 s2, $0x0  }
0xb5: {  	s3 =	rddreg [dreg:$0x2];
	[bflag:$0x3] =	sbarrier.arrive $0xFFFF;
	s2 =	simm.s32 @!p0 $0x1C03  }
0xb6: {  	[timem:s3], [sflag:s2] =	dma.local @!p0 [hbm:s0], s1  }
0xb7: {  	s0 =	simm.s32 @!p0 $0x3  }
0xb8: {  	_ =	swait.ge @!p0 [sflag:s0], s1  }
0xb9: {  	s1 =	ssub.s32 @!p0 $0x0, s1;
	[sflag:s0] =	ssyncset.done @!p0 $0x0  }
0xba: {  	[sflag:s0] =	ssyncadd.s32 @!p0 s1  }
0xbb: {  	[bflag:$0x3] =	sbarrier.arrive $0xFFFF  }
0xbc: {  	_ =	shalt  }

</sc_bundles>
